<compile_context>
chip_gen: v7x
topology: tpu7x:2x2x1
jax: 0.10.2.dev20260603
libtpu: 0.0.44.dev20260713+nightly
codegen_flags: <defaults>
</compile_context>

<pallas_src>
import functools

import jax
import jax.numpy as jnp
from jax import lax
from jax.experimental import pallas as pl
from jax.experimental.pallas import tpu as pltpu
from jax.experimental.pallas import tpu_sc as plsc

N_VOCAB = 8
DIM = 10
LANES = 16
NUM_WORKERS = 32
ROWS_PER_CHUNK = 40


def _sc_lookup_kernel(n_rows, n_cols):
    cols_per_w = n_cols // NUM_WORKERS
    n_chunks = n_rows // ROWS_PER_CHUNK
    mesh = plsc.VectorSubcoreMesh(core_axis_name="c", subcore_axis_name="s")

    @functools.partial(
        pl.kernel,
        out_type=jax.ShapeDtypeStruct((n_rows * n_cols,), jnp.float32),
        mesh=mesh,
        scratch_types=[
            pltpu.VMEM((DIM, LANES), jnp.float32),
            pltpu.VMEM((DIM, LANES), jnp.float32),
            pltpu.VMEM((LANES,), jnp.float32),
            pltpu.VMEM((2, ROWS_PER_CHUNK, cols_per_w), jnp.int32),
            pltpu.VMEM((2, ROWS_PER_CHUNK, cols_per_w), jnp.float32),
            pltpu.SemaphoreType.DMA,
            pltpu.SemaphoreType.DMA,
            pltpu.SemaphoreType.DMA,
            pltpu.SemaphoreType.DMA,
        ],
    )
    def body(idx_hbm, tab_hbm, w_hbm, b_hbm, out_hbm,
             tab_v, w_v, b_v, idx_v, out_v,
             sem_in0, sem_in1, sem_out0, sem_out1):
        sem_in = (sem_in0, sem_in1)
        sem_out = (sem_out0, sem_out1)

        wid = lax.axis_index("c") * (NUM_WORKERS // 2) + lax.axis_index("s")
        col0 = wid * cols_per_w

        def start_in(c):
            b = c & 1
            return pltpu.async_copy(
                idx_hbm.at[pl.ds(c * ROWS_PER_CHUNK, ROWS_PER_CHUNK),
                           pl.ds(col0, cols_per_w)],
                idx_v.at[b], sem_in[b])

        in_handles = [None, None]
        in_handles[0] = start_in(0)

        pltpu.sync_copy(tab_hbm, tab_v)
        pltpu.sync_copy(w_hbm, w_v)
        pltpu.sync_copy(b_hbm, b_v)

        acc = b_v[...]
        for d in range(DIM):
            acc = acc + tab_v[d] * w_v[d]
        lut = 1.0 / (1.0 + jnp.exp(-acc))

        def out_descr(c, rr):
            b = c & 1
            return pltpu.make_async_copy(
                out_v.at[b, rr],
                out_hbm.at[pl.ds(
                    (c * ROWS_PER_CHUNK + rr) * n_cols + col0, cols_per_w)],
                sem_out[b])

        def drain_out(c):
            b = c & 1
            pltpu.make_async_copy(
                idx_hbm.at[pl.ds(0, ROWS_PER_CHUNK), pl.ds(0, cols_per_w)],
                idx_v.at[b], sem_out[b]).wait()

        for c in range(n_chunks):
            b = c & 1
            if c + 1 < n_chunks:
                in_handles[1 - b] = start_in(c + 1)
            in_handles[b].wait()
            if c >= 2:
                drain_out(c - 2)

            @plsc.parallel_loop(0, ROWS_PER_CHUNK, step=1, unroll=2)
            def row_body(r, b=b, c=c):
                @plsc.parallel_loop(0, cols_per_w, step=LANES, unroll=8)
                def vec_body(s, r=r, b=b):
                    iv = idx_v[b, r, pl.ds(s, LANES)]
                    out_v[b, r, pl.ds(s, LANES)] = jnp.take_along_axis(
                        lut, iv, axis=0)

                out_descr(c, r).start()

        for c in range(max(0, n_chunks - 2), n_chunks):
            drain_out(c)

    return body


def kernel(indices, table, W, b):
    B, L = indices.shape

    tab_pad = jnp.pad(table.astype(jnp.float32).T,
                      ((0, 0), (0, LANES - N_VOCAB)))
    w_pad = jnp.broadcast_to(
        W.reshape(DIM, 1).astype(jnp.float32), (DIM, LANES))
    b_pad = jnp.broadcast_to(b.astype(jnp.float32), (LANES,))

    idx_t = indices.astype(jnp.int32).T
    out_flat = _sc_lookup_kernel(L, B)(idx_t, tab_pad, w_pad, b_pad)
    return out_flat.reshape(L, B, 1).transpose((1, 0, 2))

# --- scband reference (transcript-rebuilt; emitter-appended) ---
"""Pipeline reference for scband-some-model-11879879541773 (READ-ONLY COPY).

The authoritative reference and input builder live on the scoring server;
editing this copy changes nothing except your own understanding.
"""

import jax, jax.numpy as jnp
import numpy as np

N_VOCAB = 8
DIM = 10

def setup_inputs(seed: int = 0) -> dict:
    key = jax.random.key(seed)
    k1, k2, k3, k4 = jax.random.split(key, 4)
    indices = jax.random.randint(k1, (16384, 200), 0, N_VOCAB, dtype=jnp.int64 if jax.config.jax_enable_x64 else jnp.int32)
    table = jax.random.normal(k2, (N_VOCAB, DIM), dtype=jnp.float32)
    # nn.Linear(dim, 1): weight [1, dim], bias [1]
    bound = 1.0 / np.sqrt(DIM)
    W = jax.random.uniform(k3, (1, DIM), dtype=jnp.float32, minval=-bound, maxval=bound)
    b = jax.random.uniform(k4, (1,), dtype=jnp.float32, minval=-bound, maxval=bound)
    return {"indices": indices, "table": table, "W": W, "b": b}

def reference(indices, table, W, b):
    emb = jnp.take(table, indices, axis=0)            # [B, L, DIM]
    lin = emb @ W.T + b                                # [B, L, 1]
    return jax.nn.sigmoid(lin)

if __name__ == "__main__":
    import jax
    _d = setup_inputs()
    print(jax.jit(kernel)(*tuple(_d.values())))

</pallas_src>

<mosaic_0001>
#map = affine_map<(d0, d1) -> (0, 0)>
#map1 = affine_map<(d0, d1) -> (0)>
module attributes {stable_mosaic.version = 14 : i64} {
  func.func @body(%arg0: i32, %arg1: i32, %arg2: memref<200x16384xi32, #tpu.memory_space<hbm>>, %arg3: memref<10x16xf32, #tpu.memory_space<hbm>>, %arg4: memref<10x16xf32, #tpu.memory_space<hbm>>, %arg5: memref<16xf32, #tpu.memory_space<hbm>>, %arg6: memref<3276800xf32, #tpu.memory_space<hbm>>, %arg7: memref<10x16xf32, #tpu.memory_space<vmem>>, %arg8: memref<10x16xf32, #tpu.memory_space<vmem>>, %arg9: memref<16xf32, #tpu.memory_space<vmem>>, %arg10: memref<2x40x512xi32, #tpu.memory_space<vmem>>, %arg11: memref<2x40x512xf32, #tpu.memory_space<vmem>>, %arg12: memref<!tpu.dma_semaphore, #tpu.memory_space<semaphore_mem>>, %arg13: memref<!tpu.dma_semaphore, #tpu.memory_space<semaphore_mem>>, %arg14: memref<!tpu.dma_semaphore, #tpu.memory_space<semaphore_mem>>, %arg15: memref<!tpu.dma_semaphore, #tpu.memory_space<semaphore_mem>>) attributes {dimension_semantics = [#tpu.dimension_semantics<core_parallel>, #tpu.dimension_semantics<subcore_parallel>], iteration_bounds = array<i64: 2, 16>, scalar_prefetch = 0 : i64, scratch_operands = 9 : i64, tpu.core_type = #tpu.core_type<sc_vector_subcore>, window_params = [{transform_indices = #map}, {transform_indices = #map}, {transform_indices = #map}, {transform_indices = #map1}, {transform_indices = #map1}]} {
    %mul3A = arith.constant 16 : i32
    %mul3A_0 = arith.muli %arg0, %mul3A : i32
    %add3A = arith.addi %mul3A_0, %arg1 : i32
    %mul3A_1 = arith.constant 512 : i32
    %mul3A_2 = arith.muli %add3A, %mul3A_1 : i32
    %dma_start3A = arith.constant 0 : i32
    %dma_start3A_3 = arith.constant 0 : i32
    %dma_start3A_4 = arith.constant 0 : i32
    %dma_start3A_5 = tpu.memref_slice %arg10[%dma_start3A, %dma_start3A_3, %dma_start3A_4] : memref<2x40x512xi32, #tpu.memory_space<vmem>> -> memref<1x40x512xi32, #tpu.memory_space<vmem>>
    %dma_start3A_6 = tpu.memref_squeeze %dma_start3A_5 : memref<1x40x512xi32, #tpu.memory_space<vmem>> -> memref<40x512xi32, #tpu.memory_space<vmem>>
    %dma_start3A_7 = arith.constant 0 : i32
    %dma_start3A_8 = tpu.memref_slice %arg2[%dma_start3A_7, %mul3A_2] : memref<200x16384xi32, #tpu.memory_space<hbm>> -> memref<40x512xi32, #tpu.memory_space<hbm>>
    %dma_start3A_9 = arith.constant 0 : i32
    %dma_start3A_10 = arith.constant 0 : i32
    %dma_start3A_11 = tpu.memref_slice %arg10[%dma_start3A, %dma_start3A_9, %dma_start3A_10] : memref<2x40x512xi32, #tpu.memory_space<vmem>> -> memref<1x40x512xi32, #tpu.memory_space<vmem>>
    %dma_start3A_12 = tpu.memref_squeeze %dma_start3A_11 : memref<1x40x512xi32, #tpu.memory_space<vmem>> -> memref<40x512xi32, #tpu.memory_space<vmem>>
    %dma_start3A_13 = arith.constant 0 : i32
    %dma_start3A_14 = tpu.memref_slice %arg2[%dma_start3A_13, %mul3A_2] : memref<200x16384xi32, #tpu.memory_space<hbm>> -> memref<40x512xi32, #tpu.memory_space<hbm>>
    tpu.enqueue_dma source(%dma_start3A_14 : memref<40x512xi32, #tpu.memory_space<hbm>>) target(%dma_start3A_12 : memref<40x512xi32, #tpu.memory_space<vmem>>) target_semaphore(%arg12 : memref<!tpu.dma_semaphore, #tpu.memory_space<semaphore_mem>>)
    "tpu.region"() ({
      %run_scoped3A = tpu.sem_alloc : memref<!tpu.dma_semaphore, #tpu.memory_space<semaphore_mem>>
      tpu.enqueue_dma source(%arg3 : memref<10x16xf32, #tpu.memory_space<hbm>>) target(%arg7 : memref<10x16xf32, #tpu.memory_space<vmem>>) target_semaphore(%run_scoped3A : memref<!tpu.dma_semaphore, #tpu.memory_space<semaphore_mem>>)
      tpu.wait_dma2 semaphore(%run_scoped3A : memref<!tpu.dma_semaphore, #tpu.memory_space<semaphore_mem>>) src(%arg3 : memref<10x16xf32, #tpu.memory_space<hbm>>) dst(%arg7 : memref<10x16xf32, #tpu.memory_space<vmem>>)
      tpu.yield
    }) : () -> ()
    "tpu.region"() ({
      %run_scoped3A = tpu.sem_alloc : memref<!tpu.dma_semaphore, #tpu.memory_space<semaphore_mem>>
      tpu.enqueue_dma source(%arg4 : memref<10x16xf32, #tpu.memory_space<hbm>>) target(%arg8 : memref<10x16xf32, #tpu.memory_space<vmem>>) target_semaphore(%run_scoped3A : memref<!tpu.dma_semaphore, #tpu.memory_space<semaphore_mem>>)
      tpu.wait_dma2 semaphore(%run_scoped3A : memref<!tpu.dma_semaphore, #tpu.memory_space<semaphore_mem>>) src(%arg4 : memref<10x16xf32, #tpu.memory_space<hbm>>) dst(%arg8 : memref<10x16xf32, #tpu.memory_space<vmem>>)
      tpu.yield
    }) : () -> ()
    "tpu.region"() ({
      %run_scoped3A = tpu.sem_alloc : memref<!tpu.dma_semaphore, #tpu.memory_space<semaphore_mem>>
      tpu.enqueue_dma source(%arg5 : memref<16xf32, #tpu.memory_space<hbm>>) target(%arg9 : memref<16xf32, #tpu.memory_space<vmem>>) target_semaphore(%run_scoped3A : memref<!tpu.dma_semaphore, #tpu.memory_space<semaphore_mem>>)
      tpu.wait_dma2 semaphore(%run_scoped3A : memref<!tpu.dma_semaphore, #tpu.memory_space<semaphore_mem>>) src(%arg5 : memref<16xf32, #tpu.memory_space<hbm>>) dst(%arg9 : memref<16xf32, #tpu.memory_space<vmem>>)
      tpu.yield
    }) : () -> ()
    %get3A = arith.constant 0 : index
    %get3A_15 = tpu.vector_load %arg9[%get3A] {strides = array<i32>} : memref<16xf32, #tpu.memory_space<vmem>>, vector<16xf32>,
    %get3A_16 = vector.shape_cast %get3A_15 : vector<16xf32> to vector<16xf32>
    %get3A_17 = arith.constant 0 : i32
    %get3A_18 = arith.index_cast %get3A_17 : i32 to index
    %get3A_19 = arith.constant 0 : index
    %get3A_20 = tpu.vector_load %arg7[%get3A_18, %get3A_19] {strides = array<i32>} : memref<10x16xf32, #tpu.memory_space<vmem>>, vector<1x16xf32>,
    %get3A_21 = vector.shape_cast %get3A_20 : vector<1x16xf32> to vector<16xf32>
    %get3A_22 = arith.constant 0 : i32
    %get3A_23 = arith.index_cast %get3A_22 : i32 to index
    %get3A_24 = arith.constant 0 : index
    %get3A_25 = tpu.vector_load %arg8[%get3A_23, %get3A_24] {strides = array<i32>} : memref<10x16xf32, #tpu.memory_space<vmem>>, vector<1x16xf32>,
    %get3A_26 = vector.shape_cast %get3A_25 : vector<1x16xf32> to vector<16xf32>
    %mul3A_27 = arith.mulf %get3A_21, %get3A_26 : vector<16xf32>
    %add3A_28 = arith.addf %get3A_16, %mul3A_27 : vector<16xf32>
    %get3A_29 = arith.constant 1 : i32
    %get3A_30 = arith.index_cast %get3A_29 : i32 to index
    %get3A_31 = arith.constant 0 : index
    %get3A_32 = tpu.vector_load %arg7[%get3A_30, %get3A_31] {strides = array<i32>} : memref<10x16xf32, #tpu.memory_space<vmem>>, vector<1x16xf32>,
    %get3A_33 = vector.shape_cast %get3A_32 : vector<1x16xf32> to vector<16xf32>
    %get3A_34 = arith.constant 1 : i32
    %get3A_35 = arith.index_cast %get3A_34 : i32 to index
    %get3A_36 = arith.constant 0 : index
    %get3A_37 = tpu.vector_load %arg8[%get3A_35, %get3A_36] {strides = array<i32>} : memref<10x16xf32, #tpu.memory_space<vmem>>, vector<1x16xf32>,
    %get3A_38 = vector.shape_cast %get3A_37 : vector<1x16xf32> to vector<16xf32>
    %mul3A_39 = arith.mulf %get3A_33, %get3A_38 : vector<16xf32>
    %add3A_40 = arith.addf %add3A_28, %mul3A_39 : vector<16xf32>
    %get3A_41 = arith.constant 2 : i32
    %get3A_42 = arith.index_cast %get3A_41 : i32 to index
    %get3A_43 = arith.constant 0 : index
    %get3A_44 = tpu.vector_load %arg7[%get3A_42, %get3A_43] {strides = array<i32>} : memref<10x16xf32, #tpu.memory_space<vmem>>, vector<1x16xf32>,
    %get3A_45 = vector.shape_cast %get3A_44 : vector<1x16xf32> to vector<16xf32>
    %get3A_46 = arith.constant 2 : i32
    %get3A_47 = arith.index_cast %get3A_46 : i32 to index
    %get3A_48 = arith.constant 0 : index
    %get3A_49 = tpu.vector_load %arg8[%get3A_47, %get3A_48] {strides = array<i32>} : memref<10x16xf32, #tpu.memory_space<vmem>>, vector<1x16xf32>,
    %get3A_50 = vector.shape_cast %get3A_49 : vector<1x16xf32> to vector<16xf32>
    %mul3A_51 = arith.mulf %get3A_45, %get3A_50 : vector<16xf32>
    %add3A_52 = arith.addf %add3A_40, %mul3A_51 : vector<16xf32>
    %get3A_53 = arith.constant 3 : i32
    %get3A_54 = arith.index_cast %get3A_53 : i32 to index
    %get3A_55 = arith.constant 0 : index
    %get3A_56 = tpu.vector_load %arg7[%get3A_54, %get3A_55] {strides = array<i32>} : memref<10x16xf32, #tpu.memory_space<vmem>>, vector<1x16xf32>,
    %get3A_57 = vector.shape_cast %get3A_56 : vector<1x16xf32> to vector<16xf32>
    %get3A_58 = arith.constant 3 : i32
    %get3A_59 = arith.index_cast %get3A_58 : i32 to index
    %get3A_60 = arith.constant 0 : index
    %get3A_61 = tpu.vector_load %arg8[%get3A_59, %get3A_60] {strides = array<i32>} : memref<10x16xf32, #tpu.memory_space<vmem>>, vector<1x16xf32>,
    %get3A_62 = vector.shape_cast %get3A_61 : vector<1x16xf32> to vector<16xf32>
    %mul3A_63 = arith.mulf %get3A_57, %get3A_62 : vector<16xf32>
    %add3A_64 = arith.addf %add3A_52, %mul3A_63 : vector<16xf32>
    %get3A_65 = arith.constant 4 : i32
    %get3A_66 = arith.index_cast %get3A_65 : i32 to index
    %get3A_67 = arith.constant 0 : index
    %get3A_68 = tpu.vector_load %arg7[%get3A_66, %get3A_67] {strides = array<i32>} : memref<10x16xf32, #tpu.memory_space<vmem>>, vector<1x16xf32>,
    %get3A_69 = vector.shape_cast %get3A_68 : vector<1x16xf32> to vector<16xf32>
    %get3A_70 = arith.constant 4 : i32
    %get3A_71 = arith.index_cast %get3A_70 : i32 to index
    %get3A_72 = arith.constant 0 : index
    %get3A_73 = tpu.vector_load %arg8[%get3A_71, %get3A_72] {strides = array<i32>} : memref<10x16xf32, #tpu.memory_space<vmem>>, vector<1x16xf32>,
    %get3A_74 = vector.shape_cast %get3A_73 : vector<1x16xf32> to vector<16xf32>
    %mul3A_75 = arith.mulf %get3A_69, %get3A_74 : vector<16xf32>
    %add3A_76 = arith.addf %add3A_64, %mul3A_75 : vector<16xf32>
    %get3A_77 = arith.constant 5 : i32
    %get3A_78 = arith.index_cast %get3A_77 : i32 to index
    %get3A_79 = arith.constant 0 : index
    %get3A_80 = tpu.vector_load %arg7[%get3A_78, %get3A_79] {strides = array<i32>} : memref<10x16xf32, #tpu.memory_space<vmem>>, vector<1x16xf32>,
    %get3A_81 = vector.shape_cast %get3A_80 : vector<1x16xf32> to vector<16xf32>
    %get3A_82 = arith.constant 5 : i32
    %get3A_83 = arith.index_cast %get3A_82 : i32 to index
    %get3A_84 = arith.constant 0 : index
    %get3A_85 = tpu.vector_load %arg8[%get3A_83, %get3A_84] {strides = array<i32>} : memref<10x16xf32, #tpu.memory_space<vmem>>, vector<1x16xf32>,
    %get3A_86 = vector.shape_cast %get3A_85 : vector<1x16xf32> to vector<16xf32>
    %mul3A_87 = arith.mulf %get3A_81, %get3A_86 : vector<16xf32>
    %add3A_88 = arith.addf %add3A_76, %mul3A_87 : vector<16xf32>
    %get3A_89 = arith.constant 6 : i32
    %get3A_90 = arith.index_cast %get3A_89 : i32 to index
    %get3A_91 = arith.constant 0 : index
    %get3A_92 = tpu.vector_load %arg7[%get3A_90, %get3A_91] {strides = array<i32>} : memref<10x16xf32, #tpu.memory_space<vmem>>, vector<1x16xf32>,
    %get3A_93 = vector.shape_cast %get3A_92 : vector<1x16xf32> to vector<16xf32>
    %get3A_94 = arith.constant 6 : i32
    %get3A_95 = arith.index_cast %get3A_94 : i32 to index
    %get3A_96 = arith.constant 0 : index
    %get3A_97 = tpu.vector_load %arg8[%get3A_95, %get3A_96] {strides = array<i32>} : memref<10x16xf32, #tpu.memory_space<vmem>>, vector<1x16xf32>,
    %get3A_98 = vector.shape_cast %get3A_97 : vector<1x16xf32> to vector<16xf32>
    %mul3A_99 = arith.mulf %get3A_93, %get3A_98 : vector<16xf32>
    %add3A_100 = arith.addf %add3A_88, %mul3A_99 : vector<16xf32>
    %get3A_101 = arith.constant 7 : i32
    %get3A_102 = arith.index_cast %get3A_101 : i32 to index
    %get3A_103 = arith.constant 0 : index
    %get3A_104 = tpu.vector_load %arg7[%get3A_102, %get3A_103] {strides = array<i32>} : memref<10x16xf32, #tpu.memory_space<vmem>>, vector<1x16xf32>,
    %get3A_105 = vector.shape_cast %get3A_104 : vector<1x16xf32> to vector<16xf32>
    %get3A_106 = arith.constant 7 : i32
    %get3A_107 = arith.index_cast %get3A_106 : i32 to index
    %get3A_108 = arith.constant 0 : index
    %get3A_109 = tpu.vector_load %arg8[%get3A_107, %get3A_108] {strides = array<i32>} : memref<10x16xf32, #tpu.memory_space<vmem>>, vector<1x16xf32>,
    %get3A_110 = vector.shape_cast %get3A_109 : vector<1x16xf32> to vector<16xf32>
    %mul3A_111 = arith.mulf %get3A_105, %get3A_110 : vector<16xf32>
    %add3A_112 = arith.addf %add3A_100, %mul3A_111 : vector<16xf32>
    %get3A_113 = arith.constant 8 : i32
    %get3A_114 = arith.index_cast %get3A_113 : i32 to index
    %get3A_115 = arith.constant 0 : index
    %get3A_116 = tpu.vector_load %arg7[%get3A_114, %get3A_115] {strides = array<i32>} : memref<10x16xf32, #tpu.memory_space<vmem>>, vector<1x16xf32>,
    %get3A_117 = vector.shape_cast %get3A_116 : vector<1x16xf32> to vector<16xf32>
    %get3A_118 = arith.constant 8 : i32
    %get3A_119 = arith.index_cast %get3A_118 : i32 to index
    %get3A_120 = arith.constant 0 : index
    %get3A_121 = tpu.vector_load %arg8[%get3A_119, %get3A_120] {strides = array<i32>} : memref<10x16xf32, #tpu.memory_space<vmem>>, vector<1x16xf32>,
    %get3A_122 = vector.shape_cast %get3A_121 : vector<1x16xf32> to vector<16xf32>
    %mul3A_123 = arith.mulf %get3A_117, %get3A_122 : vector<16xf32>
    %add3A_124 = arith.addf %add3A_112, %mul3A_123 : vector<16xf32>
    %get3A_125 = arith.constant 9 : i32
    %get3A_126 = arith.index_cast %get3A_125 : i32 to index
    %get3A_127 = arith.constant 0 : index
    %get3A_128 = tpu.vector_load %arg7[%get3A_126, %get3A_127] {strides = array<i32>} : memref<10x16xf32, #tpu.memory_space<vmem>>, vector<1x16xf32>,
    %get3A_129 = vector.shape_cast %get3A_128 : vector<1x16xf32> to vector<16xf32>
    %get3A_130 = arith.constant 9 : i32
    %get3A_131 = arith.index_cast %get3A_130 : i32 to index
    %get3A_132 = arith.constant 0 : index
    %get3A_133 = tpu.vector_load %arg8[%get3A_131, %get3A_132] {strides = array<i32>} : memref<10x16xf32, #tpu.memory_space<vmem>>, vector<1x16xf32>,
    %get3A_134 = vector.shape_cast %get3A_133 : vector<1x16xf32> to vector<16xf32>
    %mul3A_135 = arith.mulf %get3A_129, %get3A_134 : vector<16xf32>
    %add3A_136 = arith.addf %add3A_124, %mul3A_135 : vector<16xf32>
    %neg3A = arith.constant 0.000000e+00 : f32
    %neg3A_137 = vector.broadcast %neg3A : f32 to vector<16xf32>
    %neg3A_138 = arith.subf %neg3A_137, %add3A_136 : vector<16xf32>
    %exp3A = math.exp %neg3A_138 : vector<16xf32>
    %add3A_139 = arith.constant 1.000000e+00 : f32
    %add3A_140 = vector.broadcast %add3A_139 : f32 to vector<16xf32>
    %add3A_141 = arith.addf %add3A_140, %exp3A : vector<16xf32>
    %div3A = arith.constant 1.000000e+00 : f32
    %div3A_142 = vector.broadcast %div3A : f32 to vector<16xf32>
    %div3A_143 = arith.divf %div3A_142, %add3A_141 : vector<16xf32>
    %dma_start3A_144 = arith.constant 1 : i32
    %dma_start3A_145 = arith.constant 0 : i32
    %dma_start3A_146 = arith.constant 0 : i32
    %dma_start3A_147 = tpu.memref_slice %arg10[%dma_start3A_144, %dma_start3A_145, %dma_start3A_146] : memref<2x40x512xi32, #tpu.memory_space<vmem>> -> memref<1x40x512xi32, #tpu.memory_space<vmem>>
    %dma_start3A_148 = tpu.memref_squeeze %dma_start3A_147 : memref<1x40x512xi32, #tpu.memory_space<vmem>> -> memref<40x512xi32, #tpu.memory_space<vmem>>
    %dma_start3A_149 = arith.constant 40 : i32
    %dma_start3A_150 = tpu.memref_slice %arg2[%dma_start3A_149, %mul3A_2] : memref<200x16384xi32, #tpu.memory_space<hbm>> -> memref<40x512xi32, #tpu.memory_space<hbm>>
    %dma_start3A_151 = arith.constant 0 : i32
    %dma_start3A_152 = arith.constant 0 : i32
    %dma_start3A_153 = tpu.memref_slice %arg10[%dma_start3A_144, %dma_start3A_151, %dma_start3A_152] : memref<2x40x512xi32, #tpu.memory_space<vmem>> -> memref<1x40x512xi32, #tpu.memory_space<vmem>>
    %dma_start3A_154 = tpu.memref_squeeze %dma_start3A_153 : memref<1x40x512xi32, #tpu.memory_space<vmem>> -> memref<40x512xi32, #tpu.memory_space<vmem>>
    %dma_start3A_155 = arith.constant 40 : i32
    %dma_start3A_156 = tpu.memref_slice %arg2[%dma_start3A_155, %mul3A_2] : memref<200x16384xi32, #tpu.memory_space<hbm>> -> memref<40x512xi32, #tpu.memory_space<hbm>>
    tpu.enqueue_dma source(%dma_start3A_156 : memref<40x512xi32, #tpu.memory_space<hbm>>) target(%dma_start3A_154 : memref<40x512xi32, #tpu.memory_space<vmem>>) target_semaphore(%arg13 : memref<!tpu.dma_semaphore, #tpu.memory_space<semaphore_mem>>)
    %dma_wait3A = arith.constant 0 : i32
    %dma_wait3A_157 = arith.constant 0 : i32
    %dma_wait3A_158 = arith.constant 0 : i32
    %dma_wait3A_159 = tpu.memref_slice %arg10[%dma_wait3A, %dma_wait3A_157, %dma_wait3A_158] : memref<2x40x512xi32, #tpu.memory_space<vmem>> -> memref<1x40x512xi32, #tpu.memory_space<vmem>>
    %dma_wait3A_160 = tpu.memref_squeeze %dma_wait3A_159 : memref<1x40x512xi32, #tpu.memory_space<vmem>> -> memref<40x512xi32, #tpu.memory_space<vmem>>
    %dma_wait3A_161 = arith.constant 0 : i32
    %dma_wait3A_162 = tpu.memref_slice %arg2[%dma_wait3A_161, %mul3A_2] : memref<200x16384xi32, #tpu.memory_space<hbm>> -> memref<40x512xi32, #tpu.memory_space<hbm>>
    %dma_wait3A_163 = arith.constant 0 : i32
    %dma_wait3A_164 = arith.constant 0 : i32
    %dma_wait3A_165 = tpu.memref_slice %arg10[%dma_wait3A, %dma_wait3A_163, %dma_wait3A_164] : memref<2x40x512xi32, #tpu.memory_space<vmem>> -> memref<1x40x512xi32, #tpu.memory_space<vmem>>
    %dma_wait3A_166 = tpu.memref_squeeze %dma_wait3A_165 : memref<1x40x512xi32, #tpu.memory_space<vmem>> -> memref<40x512xi32, #tpu.memory_space<vmem>>
    %dma_wait3A_167 = arith.constant 0 : i32
    %dma_wait3A_168 = tpu.memref_slice %arg2[%dma_wait3A_167, %mul3A_2] : memref<200x16384xi32, #tpu.memory_space<hbm>> -> memref<40x512xi32, #tpu.memory_space<hbm>>
    tpu.wait_dma2 semaphore(%arg12 : memref<!tpu.dma_semaphore, #tpu.memory_space<semaphore_mem>>) src(%dma_wait3A_168 : memref<40x512xi32, #tpu.memory_space<hbm>>) dst(%dma_wait3A_166 : memref<40x512xi32, #tpu.memory_space<vmem>>)
    %parallel_loop3A = arith.constant 0 : i32
    %parallel_loop3A_169 = arith.constant 40 : i32
    %parallel_loop3A_170 = arith.constant 1 : i32
    scf.for %parallel_loop3A_349 = %parallel_loop3A to %parallel_loop3A_169 step %parallel_loop3A_170  : i32 {
      %parallel_loop3A_350 = arith.constant 0 : i32
      %parallel_loop3A_351 = arith.constant 512 : i32
      %parallel_loop3A_352 = arith.constant 16 : i32
      scf.for %parallel_loop3A_367 = %parallel_loop3A_350 to %parallel_loop3A_351 step %parallel_loop3A_352  : i32 {
        %parallel_loop3A_368 = arith.constant 0 : i32
        %parallel_loop3A_369 = arith.index_cast %parallel_loop3A_368 : i32 to index
        %parallel_loop3A_370 = arith.index_cast %parallel_loop3A_349 : i32 to index
        %parallel_loop3A_371 = arith.index_cast %parallel_loop3A_367 : i32 to index
        %parallel_loop3A_372 = tpu.vector_load %arg10[%parallel_loop3A_369, %parallel_loop3A_370, %parallel_loop3A_371] {strides = array<i32>} : memref<2x40x512xi32, #tpu.memory_space<vmem>>, vector<1x1x16xi32>,
        %parallel_loop3A_373 = vector.shape_cast %parallel_loop3A_372 : vector<1x1x16xi32> to vector<16xi32>
        %parallel_loop3A_374 = arith.constant 0 : i32
        %parallel_loop3A_375 = vector.broadcast %parallel_loop3A_374 : i32 to vector<16xi32>
        %parallel_loop3A_376 = arith.cmpi slt, %parallel_loop3A_373, %parallel_loop3A_375 : vector<16xi32>
        %parallel_loop3A_377 = arith.constant 16 : i32
        %parallel_loop3A_378 = vector.broadcast %parallel_loop3A_377 : i32 to vector<16xi32>
        %parallel_loop3A_379 = arith.addi %parallel_loop3A_373, %parallel_loop3A_378 : vector<16xi32>
        %parallel_loop3A_380 = arith.select %parallel_loop3A_376, %parallel_loop3A_379, %parallel_loop3A_373 : vector<16xi1>, vector<16xi32>
        %parallel_loop3A_381 = vector.shape_cast %parallel_loop3A_380 : vector<16xi32> to vector<16x1xi32>
        %parallel_loop3A_382 = vector.shape_cast %parallel_loop3A_381 : vector<16x1xi32> to vector<16xi32>
        %parallel_loop3A_383 = tpu.dynamic_gather %div3A_143[%parallel_loop3A_382] in [0] : vector<16xf32>, vector<16xi32> -> vector<16xf32>
        %parallel_loop3A_384 = arith.constant 0 : i32
        %parallel_loop3A_385 = arith.index_cast %parallel_loop3A_384 : i32 to index
        %parallel_loop3A_386 = arith.index_cast %parallel_loop3A_349 : i32 to index
        %parallel_loop3A_387 = arith.index_cast %parallel_loop3A_367 : i32 to index
        %parallel_loop3A_388 = tpu.vector_load %arg11[%parallel_loop3A_385, %parallel_loop3A_386, %parallel_loop3A_387] {strides = array<i32>} : memref<2x40x512xf32, #tpu.memory_space<vmem>>, vector<1x1x16xf32>,
        %parallel_loop3A_389 = vector.shape_cast %parallel_loop3A_388 : vector<1x1x16xf32> to vector<16xf32>
        %parallel_loop3A_390 = vector.shape_cast %parallel_loop3A_383 : vector<16xf32> to vector<1x1x16xf32>
        tpu.vector_store %arg11[%parallel_loop3A_385, %parallel_loop3A_386, %parallel_loop3A_387], %parallel_loop3A_390 {strides = array<i32>} : memref<2x40x512xf32, #tpu.memory_space<vmem>>, vector<1x1x16xf32>,
      } {sc.loop_unroll_factor = 8 : i64, sc.parallel_access}
      %parallel_loop3A_353 = arith.constant 0 : i32
      %parallel_loop3A_354 = arith.addi %parallel_loop3A_353, %parallel_loop3A_349 : i32
      %parallel_loop3A_355 = arith.constant 16384 : i32
      %parallel_loop3A_356 = arith.muli %parallel_loop3A_354, %parallel_loop3A_355 : i32
      %parallel_loop3A_357 = arith.addi %parallel_loop3A_356, %mul3A_2 : i32
      %parallel_loop3A_358 = arith.constant 0 : i32
      %parallel_loop3A_359 = arith.constant 0 : i32
      %parallel_loop3A_360 = tpu.memref_slice %arg11[%parallel_loop3A_358, %parallel_loop3A_349, %parallel_loop3A_359] : memref<2x40x512xf32, #tpu.memory_space<vmem>> -> memref<1x1x512xf32, #tpu.memory_space<vmem>>
      %parallel_loop3A_361 = tpu.memref_squeeze %parallel_loop3A_360 : memref<1x1x512xf32, #tpu.memory_space<vmem>> -> memref<512xf32, #tpu.memory_space<vmem>>
      %parallel_loop3A_362 = tpu.memref_slice %arg6[%parallel_loop3A_357] : memref<3276800xf32, #tpu.memory_space<hbm>> -> memref<512xf32, #tpu.memory_space<hbm>>
      %parallel_loop3A_363 = tpu.memref_slice %arg6[%parallel_loop3A_357] : memref<3276800xf32, #tpu.memory_space<hbm>> -> memref<512xf32, #tpu.memory_space<hbm>>
      %parallel_loop3A_364 = arith.constant 0 : i32
      %parallel_loop3A_365 = tpu.memref_slice %arg11[%parallel_loop3A_358, %parallel_loop3A_349, %parallel_loop3A_364] : memref<2x40x512xf32, #tpu.memory_space<vmem>> -> memref<1x1x512xf32, #tpu.memory_space<vmem>>
      %parallel_loop3A_366 = tpu.memref_squeeze %parallel_loop3A_365 : memref<1x1x512xf32, #tpu.memory_space<vmem>> -> memref<512xf32, #tpu.memory_space<vmem>>
      tpu.enqueue_dma source(%parallel_loop3A_366 : memref<512xf32, #tpu.memory_space<vmem>>) target(%parallel_loop3A_363 : memref<512xf32, #tpu.memory_space<hbm>>) target_semaphore(%arg14 : memref<!tpu.dma_semaphore, #tpu.memory_space<semaphore_mem>>)
    } {sc.loop_unroll_factor = 2 : i64, sc.parallel_access}
    %dma_start3A_171 = arith.constant 0 : i32
    %dma_start3A_172 = arith.constant 0 : i32
    %dma_start3A_173 = arith.constant 0 : i32
    %dma_start3A_174 = tpu.memref_slice %arg10[%dma_start3A_171, %dma_start3A_172, %dma_start3A_173] : memref<2x40x512xi32, #tpu.memory_space<vmem>> -> memref<1x40x512xi32, #tpu.memory_space<vmem>>
    %dma_start3A_175 = tpu.memref_squeeze %dma_start3A_174 : memref<1x40x512xi32, #tpu.memory_space<vmem>> -> memref<40x512xi32, #tpu.memory_space<vmem>>
    %dma_start3A_176 = arith.constant 80 : i32
    %dma_start3A_177 = tpu.memref_slice %arg2[%dma_start3A_176, %mul3A_2] : memref<200x16384xi32, #tpu.memory_space<hbm>> -> memref<40x512xi32, #tpu.memory_space<hbm>>
    %dma_start3A_178 = arith.constant 0 : i32
    %dma_start3A_179 = arith.constant 0 : i32
    %dma_start3A_180 = tpu.memref_slice %arg10[%dma_start3A_171, %dma_start3A_178, %dma_start3A_179] : memref<2x40x512xi32, #tpu.memory_space<vmem>> -> memref<1x40x512xi32, #tpu.memory_space<vmem>>
    %dma_start3A_181 = tpu.memref_squeeze %dma_start3A_180 : memref<1x40x512xi32, #tpu.memory_space<vmem>> -> memref<40x512xi32, #tpu.memory_space<vmem>>
    %dma_start3A_182 = arith.constant 80 : i32
    %dma_start3A_183 = tpu.memref_slice %arg2[%dma_start3A_182, %mul3A_2] : memref<200x16384xi32, #tpu.memory_space<hbm>> -> memref<40x512xi32, #tpu.memory_space<hbm>>
    tpu.enqueue_dma source(%dma_start3A_183 : memref<40x512xi32, #tpu.memory_space<hbm>>) target(%dma_start3A_181 : memref<40x512xi32, #tpu.memory_space<vmem>>) target_semaphore(%arg12 : memref<!tpu.dma_semaphore, #tpu.memory_space<semaphore_mem>>)
    %dma_wait3A_184 = arith.constant 1 : i32
    %dma_wait3A_185 = arith.constant 0 : i32
    %dma_wait3A_186 = arith.constant 0 : i32
    %dma_wait3A_187 = tpu.memref_slice %arg10[%dma_wait3A_184, %dma_wait3A_185, %dma_wait3A_186] : memref<2x40x512xi32, #tpu.memory_space<vmem>> -> memref<1x40x512xi32, #tpu.memory_space<vmem>>
    %dma_wait3A_188 = tpu.memref_squeeze %dma_wait3A_187 : memref<1x40x512xi32, #tpu.memory_space<vmem>> -> memref<40x512xi32, #tpu.memory_space<vmem>>
    %dma_wait3A_189 = arith.constant 40 : i32
    %dma_wait3A_190 = tpu.memref_slice %arg2[%dma_wait3A_189, %mul3A_2] : memref<200x16384xi32, #tpu.memory_space<hbm>> -> memref<40x512xi32, #tpu.memory_space<hbm>>
    %dma_wait3A_191 = arith.constant 0 : i32
    %dma_wait3A_192 = arith.constant 0 : i32
    %dma_wait3A_193 = tpu.memref_slice %arg10[%dma_wait3A_184, %dma_wait3A_191, %dma_wait3A_192] : memref<2x40x512xi32, #tpu.memory_space<vmem>> -> memref<1x40x512xi32, #tpu.memory_space<vmem>>
    %dma_wait3A_194 = tpu.memref_squeeze %dma_wait3A_193 : memref<1x40x512xi32, #tpu.memory_space<vmem>> -> memref<40x512xi32, #tpu.memory_space<vmem>>
    %dma_wait3A_195 = arith.constant 40 : i32
    %dma_wait3A_196 = tpu.memref_slice %arg2[%dma_wait3A_195, %mul3A_2] : memref<200x16384xi32, #tpu.memory_space<hbm>> -> memref<40x512xi32, #tpu.memory_space<hbm>>
    tpu.wait_dma2 semaphore(%arg13 : memref<!tpu.dma_semaphore, #tpu.memory_space<semaphore_mem>>) src(%dma_wait3A_196 : memref<40x512xi32, #tpu.memory_space<hbm>>) dst(%dma_wait3A_194 : memref<40x512xi32, #tpu.memory_space<vmem>>)
    %parallel_loop3A_197 = arith.constant 0 : i32
    %parallel_loop3A_198 = arith.constant 40 : i32
    %parallel_loop3A_199 = arith.constant 1 : i32
    scf.for %parallel_loop3A_349 = %parallel_loop3A_197 to %parallel_loop3A_198 step %parallel_loop3A_199  : i32 {
      %parallel_loop3A_350 = arith.constant 0 : i32
      %parallel_loop3A_351 = arith.constant 512 : i32
      %parallel_loop3A_352 = arith.constant 16 : i32
      scf.for %parallel_loop3A_367 = %parallel_loop3A_350 to %parallel_loop3A_351 step %parallel_loop3A_352  : i32 {
        %parallel_loop3A_368 = arith.constant 1 : i32
        %parallel_loop3A_369 = arith.index_cast %parallel_loop3A_368 : i32 to index
        %parallel_loop3A_370 = arith.index_cast %parallel_loop3A_349 : i32 to index
        %parallel_loop3A_371 = arith.index_cast %parallel_loop3A_367 : i32 to index
        %parallel_loop3A_372 = tpu.vector_load %arg10[%parallel_loop3A_369, %parallel_loop3A_370, %parallel_loop3A_371] {strides = array<i32>} : memref<2x40x512xi32, #tpu.memory_space<vmem>>, vector<1x1x16xi32>,
        %parallel_loop3A_373 = vector.shape_cast %parallel_loop3A_372 : vector<1x1x16xi32> to vector<16xi32>
        %parallel_loop3A_374 = arith.constant 0 : i32
        %parallel_loop3A_375 = vector.broadcast %parallel_loop3A_374 : i32 to vector<16xi32>
        %parallel_loop3A_376 = arith.cmpi slt, %parallel_loop3A_373, %parallel_loop3A_375 : vector<16xi32>
        %parallel_loop3A_377 = arith.constant 16 : i32
        %parallel_loop3A_378 = vector.broadcast %parallel_loop3A_377 : i32 to vector<16xi32>
        %parallel_loop3A_379 = arith.addi %parallel_loop3A_373, %parallel_loop3A_378 : vector<16xi32>
        %parallel_loop3A_380 = arith.select %parallel_loop3A_376, %parallel_loop3A_379, %parallel_loop3A_373 : vector<16xi1>, vector<16xi32>
        %parallel_loop3A_381 = vector.shape_cast %parallel_loop3A_380 : vector<16xi32> to vector<16x1xi32>
        %parallel_loop3A_382 = vector.shape_cast %parallel_loop3A_381 : vector<16x1xi32> to vector<16xi32>
        %parallel_loop3A_383 = tpu.dynamic_gather %div3A_143[%parallel_loop3A_382] in [0] : vector<16xf32>, vector<16xi32> -> vector<16xf32>
        %parallel_loop3A_384 = arith.constant 1 : i32
        %parallel_loop3A_385 = arith.index_cast %parallel_loop3A_384 : i32 to index
        %parallel_loop3A_386 = arith.index_cast %parallel_loop3A_349 : i32 to index
        %parallel_loop3A_387 = arith.index_cast %parallel_loop3A_367 : i32 to index
        %parallel_loop3A_388 = tpu.vector_load %arg11[%parallel_loop3A_385, %parallel_loop3A_386, %parallel_loop3A_387] {strides = array<i32>} : memref<2x40x512xf32, #tpu.memory_space<vmem>>, vector<1x1x16xf32>,
        %parallel_loop3A_389 = vector.shape_cast %parallel_loop3A_388 : vector<1x1x16xf32> to vector<16xf32>
        %parallel_loop3A_390 = vector.shape_cast %parallel_loop3A_383 : vector<16xf32> to vector<1x1x16xf32>
        tpu.vector_store %arg11[%parallel_loop3A_385, %parallel_loop3A_386, %parallel_loop3A_387], %parallel_loop3A_390 {strides = array<i32>} : memref<2x40x512xf32, #tpu.memory_space<vmem>>, vector<1x1x16xf32>,
      } {sc.loop_unroll_factor = 8 : i64, sc.parallel_access}
      %parallel_loop3A_353 = arith.constant 40 : i32
      %parallel_loop3A_354 = arith.addi %parallel_loop3A_353, %parallel_loop3A_349 : i32
      %parallel_loop3A_355 = arith.constant 16384 : i32
      %parallel_loop3A_356 = arith.muli %parallel_loop3A_354, %parallel_loop3A_355 : i32
      %parallel_loop3A_357 = arith.addi %parallel_loop3A_356, %mul3A_2 : i32
      %parallel_loop3A_358 = arith.constant 1 : i32
      %parallel_loop3A_359 = arith.constant 0 : i32
      %parallel_loop3A_360 = tpu.memref_slice %arg11[%parallel_loop3A_358, %parallel_loop3A_349, %parallel_loop3A_359] : memref<2x40x512xf32, #tpu.memory_space<vmem>> -> memref<1x1x512xf32, #tpu.memory_space<vmem>>
      %parallel_loop3A_361 = tpu.memref_squeeze %parallel_loop3A_360 : memref<1x1x512xf32, #tpu.memory_space<vmem>> -> memref<512xf32, #tpu.memory_space<vmem>>
      %parallel_loop3A_362 = tpu.memref_slice %arg6[%parallel_loop3A_357] : memref<3276800xf32, #tpu.memory_space<hbm>> -> memref<512xf32, #tpu.memory_space<hbm>>
      %parallel_loop3A_363 = tpu.memref_slice %arg6[%parallel_loop3A_357] : memref<3276800xf32, #tpu.memory_space<hbm>> -> memref<512xf32, #tpu.memory_space<hbm>>
      %parallel_loop3A_364 = arith.constant 0 : i32
      %parallel_loop3A_365 = tpu.memref_slice %arg11[%parallel_loop3A_358, %parallel_loop3A_349, %parallel_loop3A_364] : memref<2x40x512xf32, #tpu.memory_space<vmem>> -> memref<1x1x512xf32, #tpu.memory_space<vmem>>
      %parallel_loop3A_366 = tpu.memref_squeeze %parallel_loop3A_365 : memref<1x1x512xf32, #tpu.memory_space<vmem>> -> memref<512xf32, #tpu.memory_space<vmem>>
      tpu.enqueue_dma source(%parallel_loop3A_366 : memref<512xf32, #tpu.memory_space<vmem>>) target(%parallel_loop3A_363 : memref<512xf32, #tpu.memory_space<hbm>>) target_semaphore(%arg15 : memref<!tpu.dma_semaphore, #tpu.memory_space<semaphore_mem>>)
    } {sc.loop_unroll_factor = 2 : i64, sc.parallel_access}
    %dma_start3A_200 = arith.constant 1 : i32
    %dma_start3A_201 = arith.constant 0 : i32
    %dma_start3A_202 = arith.constant 0 : i32
    %dma_start3A_203 = tpu.memref_slice %arg10[%dma_start3A_200, %dma_start3A_201, %dma_start3A_202] : memref<2x40x512xi32, #tpu.memory_space<vmem>> -> memref<1x40x512xi32, #tpu.memory_space<vmem>>
    %dma_start3A_204 = tpu.memref_squeeze %dma_start3A_203 : memref<1x40x512xi32, #tpu.memory_space<vmem>> -> memref<40x512xi32, #tpu.memory_space<vmem>>
    %dma_start3A_205 = arith.constant 120 : i32
    %dma_start3A_206 = tpu.memref_slice %arg2[%dma_start3A_205, %mul3A_2] : memref<200x16384xi32, #tpu.memory_space<hbm>> -> memref<40x512xi32, #tpu.memory_space<hbm>>
    %dma_start3A_207 = arith.constant 0 : i32
    %dma_start3A_208 = arith.constant 0 : i32
    %dma_start3A_209 = tpu.memref_slice %arg10[%dma_start3A_200, %dma_start3A_207, %dma_start3A_208] : memref<2x40x512xi32, #tpu.memory_space<vmem>> -> memref<1x40x512xi32, #tpu.memory_space<vmem>>
    %dma_start3A_210 = tpu.memref_squeeze %dma_start3A_209 : memref<1x40x512xi32, #tpu.memory_space<vmem>> -> memref<40x512xi32, #tpu.memory_space<vmem>>
    %dma_start3A_211 = arith.constant 120 : i32
    %dma_start3A_212 = tpu.memref_slice %arg2[%dma_start3A_211, %mul3A_2] : memref<200x16384xi32, #tpu.memory_space<hbm>> -> memref<40x512xi32, #tpu.memory_space<hbm>>
    tpu.enqueue_dma source(%dma_start3A_212 : memref<40x512xi32, #tpu.memory_space<hbm>>) target(%dma_start3A_210 : memref<40x512xi32, #tpu.memory_space<vmem>>) target_semaphore(%arg13 : memref<!tpu.dma_semaphore, #tpu.memory_space<semaphore_mem>>)
    %dma_wait3A_213 = arith.constant 0 : i32
    %dma_wait3A_214 = arith.constant 0 : i32
    %dma_wait3A_215 = arith.constant 0 : i32
    %dma_wait3A_216 = tpu.memref_slice %arg10[%dma_wait3A_213, %dma_wait3A_214, %dma_wait3A_215] : memref<2x40x512xi32, #tpu.memory_space<vmem>> -> memref<1x40x512xi32, #tpu.memory_space<vmem>>
    %dma_wait3A_217 = tpu.memref_squeeze %dma_wait3A_216 : memref<1x40x512xi32, #tpu.memory_space<vmem>> -> memref<40x512xi32, #tpu.memory_space<vmem>>
    %dma_wait3A_218 = arith.constant 80 : i32
    %dma_wait3A_219 = tpu.memref_slice %arg2[%dma_wait3A_218, %mul3A_2] : memref<200x16384xi32, #tpu.memory_space<hbm>> -> memref<40x512xi32, #tpu.memory_space<hbm>>
    %dma_wait3A_220 = arith.constant 0 : i32
    %dma_wait3A_221 = arith.constant 0 : i32
    %dma_wait3A_222 = tpu.memref_slice %arg10[%dma_wait3A_213, %dma_wait3A_220, %dma_wait3A_221] : memref<2x40x512xi32, #tpu.memory_space<vmem>> -> memref<1x40x512xi32, #tpu.memory_space<vmem>>
    %dma_wait3A_223 = tpu.memref_squeeze %dma_wait3A_222 : memref<1x40x512xi32, #tpu.memory_space<vmem>> -> memref<40x512xi32, #tpu.memory_space<vmem>>
    %dma_wait3A_224 = arith.constant 80 : i32
    %dma_wait3A_225 = tpu.memref_slice %arg2[%dma_wait3A_224, %mul3A_2] : memref<200x16384xi32, #tpu.memory_space<hbm>> -> memref<40x512xi32, #tpu.memory_space<hbm>>
    tpu.wait_dma2 semaphore(%arg12 : memref<!tpu.dma_semaphore, #tpu.memory_space<semaphore_mem>>) src(%dma_wait3A_225 : memref<40x512xi32, #tpu.memory_space<hbm>>) dst(%dma_wait3A_223 : memref<40x512xi32, #tpu.memory_space<vmem>>)
    %dma_wait3A_226 = arith.constant 0 : i32
    %dma_wait3A_227 = arith.constant 0 : i32
    %dma_wait3A_228 = arith.constant 0 : i32
    %dma_wait3A_229 = tpu.memref_slice %arg10[%dma_wait3A_226, %dma_wait3A_227, %dma_wait3A_228] : memref<2x40x512xi32, #tpu.memory_space<vmem>> -> memref<1x40x512xi32, #tpu.memory_space<vmem>>
    %dma_wait3A_230 = tpu.memref_squeeze %dma_wait3A_229 : memref<1x40x512xi32, #tpu.memory_space<vmem>> -> memref<40x512xi32, #tpu.memory_space<vmem>>
    %dma_wait3A_231 = arith.constant 0 : i32
    %dma_wait3A_232 = arith.constant 0 : i32
    %dma_wait3A_233 = tpu.memref_slice %arg2[%dma_wait3A_231, %dma_wait3A_232] : memref<200x16384xi32, #tpu.memory_space<hbm>> -> memref<40x512xi32, #tpu.memory_space<hbm>>
    %dma_wait3A_234 = arith.constant 0 : i32
    %dma_wait3A_235 = arith.constant 0 : i32
    %dma_wait3A_236 = tpu.memref_slice %arg10[%dma_wait3A_226, %dma_wait3A_234, %dma_wait3A_235] : memref<2x40x512xi32, #tpu.memory_space<vmem>> -> memref<1x40x512xi32, #tpu.memory_space<vmem>>
    %dma_wait3A_237 = tpu.memref_squeeze %dma_wait3A_236 : memref<1x40x512xi32, #tpu.memory_space<vmem>> -> memref<40x512xi32, #tpu.memory_space<vmem>>
    %dma_wait3A_238 = arith.constant 0 : i32
    %dma_wait3A_239 = arith.constant 0 : i32
    %dma_wait3A_240 = tpu.memref_slice %arg2[%dma_wait3A_238, %dma_wait3A_239] : memref<200x16384xi32, #tpu.memory_space<hbm>> -> memref<40x512xi32, #tpu.memory_space<hbm>>
    tpu.wait_dma2 semaphore(%arg14 : memref<!tpu.dma_semaphore, #tpu.memory_space<semaphore_mem>>) src(%dma_wait3A_240 : memref<40x512xi32, #tpu.memory_space<hbm>>) dst(%dma_wait3A_237 : memref<40x512xi32, #tpu.memory_space<vmem>>)
    %parallel_loop3A_241 = arith.constant 0 : i32
    %parallel_loop3A_242 = arith.constant 40 : i32
    %parallel_loop3A_243 = arith.constant 1 : i32
    scf.for %parallel_loop3A_349 = %parallel_loop3A_241 to %parallel_loop3A_242 step %parallel_loop3A_243  : i32 {
      %parallel_loop3A_350 = arith.constant 0 : i32
      %parallel_loop3A_351 = arith.constant 512 : i32
      %parallel_loop3A_352 = arith.constant 16 : i32
      scf.for %parallel_loop3A_367 = %parallel_loop3A_350 to %parallel_loop3A_351 step %parallel_loop3A_352  : i32 {
        %parallel_loop3A_368 = arith.constant 0 : i32
        %parallel_loop3A_369 = arith.index_cast %parallel_loop3A_368 : i32 to index
        %parallel_loop3A_370 = arith.index_cast %parallel_loop3A_349 : i32 to index
        %parallel_loop3A_371 = arith.index_cast %parallel_loop3A_367 : i32 to index
        %parallel_loop3A_372 = tpu.vector_load %arg10[%parallel_loop3A_369, %parallel_loop3A_370, %parallel_loop3A_371] {strides = array<i32>} : memref<2x40x512xi32, #tpu.memory_space<vmem>>, vector<1x1x16xi32>,
        %parallel_loop3A_373 = vector.shape_cast %parallel_loop3A_372 : vector<1x1x16xi32> to vector<16xi32>
        %parallel_loop3A_374 = arith.constant 0 : i32
        %parallel_loop3A_375 = vector.broadcast %parallel_loop3A_374 : i32 to vector<16xi32>
        %parallel_loop3A_376 = arith.cmpi slt, %parallel_loop3A_373, %parallel_loop3A_375 : vector<16xi32>
        %parallel_loop3A_377 = arith.constant 16 : i32
        %parallel_loop3A_378 = vector.broadcast %parallel_loop3A_377 : i32 to vector<16xi32>
        %parallel_loop3A_379 = arith.addi %parallel_loop3A_373, %parallel_loop3A_378 : vector<16xi32>
        %parallel_loop3A_380 = arith.select %parallel_loop3A_376, %parallel_loop3A_379, %parallel_loop3A_373 : vector<16xi1>, vector<16xi32>
        %parallel_loop3A_381 = vector.shape_cast %parallel_loop3A_380 : vector<16xi32> to vector<16x1xi32>
        %parallel_loop3A_382 = vector.shape_cast %parallel_loop3A_381 : vector<16x1xi32> to vector<16xi32>
        %parallel_loop3A_383 = tpu.dynamic_gather %div3A_143[%parallel_loop3A_382] in [0] : vector<16xf32>, vector<16xi32> -> vector<16xf32>
        %parallel_loop3A_384 = arith.constant 0 : i32
        %parallel_loop3A_385 = arith.index_cast %parallel_loop3A_384 : i32 to index
        %parallel_loop3A_386 = arith.index_cast %parallel_loop3A_349 : i32 to index
        %parallel_loop3A_387 = arith.index_cast %parallel_loop3A_367 : i32 to index
        %parallel_loop3A_388 = tpu.vector_load %arg11[%parallel_loop3A_385, %parallel_loop3A_386, %parallel_loop3A_387] {strides = array<i32>} : memref<2x40x512xf32, #tpu.memory_space<vmem>>, vector<1x1x16xf32>,
        %parallel_loop3A_389 = vector.shape_cast %parallel_loop3A_388 : vector<1x1x16xf32> to vector<16xf32>
        %parallel_loop3A_390 = vector.shape_cast %parallel_loop3A_383 : vector<16xf32> to vector<1x1x16xf32>
        tpu.vector_store %arg11[%parallel_loop3A_385, %parallel_loop3A_386, %parallel_loop3A_387], %parallel_loop3A_390 {strides = array<i32>} : memref<2x40x512xf32, #tpu.memory_space<vmem>>, vector<1x1x16xf32>,
      } {sc.loop_unroll_factor = 8 : i64, sc.parallel_access}
      %parallel_loop3A_353 = arith.constant 80 : i32
      %parallel_loop3A_354 = arith.addi %parallel_loop3A_353, %parallel_loop3A_349 : i32
      %parallel_loop3A_355 = arith.constant 16384 : i32
      %parallel_loop3A_356 = arith.muli %parallel_loop3A_354, %parallel_loop3A_355 : i32
      %parallel_loop3A_357 = arith.addi %parallel_loop3A_356, %mul3A_2 : i32
      %parallel_loop3A_358 = arith.constant 0 : i32
      %parallel_loop3A_359 = arith.constant 0 : i32
      %parallel_loop3A_360 = tpu.memref_slice %arg11[%parallel_loop3A_358, %parallel_loop3A_349, %parallel_loop3A_359] : memref<2x40x512xf32, #tpu.memory_space<vmem>> -> memref<1x1x512xf32, #tpu.memory_space<vmem>>
      %parallel_loop3A_361 = tpu.memref_squeeze %parallel_loop3A_360 : memref<1x1x512xf32, #tpu.memory_space<vmem>> -> memref<512xf32, #tpu.memory_space<vmem>>
      %parallel_loop3A_362 = tpu.memref_slice %arg6[%parallel_loop3A_357] : memref<3276800xf32, #tpu.memory_space<hbm>> -> memref<512xf32, #tpu.memory_space<hbm>>
      %parallel_loop3A_363 = tpu.memref_slice %arg6[%parallel_loop3A_357] : memref<3276800xf32, #tpu.memory_space<hbm>> -> memref<512xf32, #tpu.memory_space<hbm>>
      %parallel_loop3A_364 = arith.constant 0 : i32
      %parallel_loop3A_365 = tpu.memref_slice %arg11[%parallel_loop3A_358, %parallel_loop3A_349, %parallel_loop3A_364] : memref<2x40x512xf32, #tpu.memory_space<vmem>> -> memref<1x1x512xf32, #tpu.memory_space<vmem>>
      %parallel_loop3A_366 = tpu.memref_squeeze %parallel_loop3A_365 : memref<1x1x512xf32, #tpu.memory_space<vmem>> -> memref<512xf32, #tpu.memory_space<vmem>>
      tpu.enqueue_dma source(%parallel_loop3A_366 : memref<512xf32, #tpu.memory_space<vmem>>) target(%parallel_loop3A_363 : memref<512xf32, #tpu.memory_space<hbm>>) target_semaphore(%arg14 : memref<!tpu.dma_semaphore, #tpu.memory_space<semaphore_mem>>)
    } {sc.loop_unroll_factor = 2 : i64, sc.parallel_access}
    %dma_start3A_244 = arith.constant 0 : i32
    %dma_start3A_245 = arith.constant 0 : i32
    %dma_start3A_246 = arith.constant 0 : i32
    %dma_start3A_247 = tpu.memref_slice %arg10[%dma_start3A_244, %dma_start3A_245, %dma_start3A_246] : memref<2x40x512xi32, #tpu.memory_space<vmem>> -> memref<1x40x512xi32, #tpu.memory_space<vmem>>
    %dma_start3A_248 = tpu.memref_squeeze %dma_start3A_247 : memref<1x40x512xi32, #tpu.memory_space<vmem>> -> memref<40x512xi32, #tpu.memory_space<vmem>>
    %dma_start3A_249 = arith.constant 160 : i32
    %dma_start3A_250 = tpu.memref_slice %arg2[%dma_start3A_249, %mul3A_2] : memref<200x16384xi32, #tpu.memory_space<hbm>> -> memref<40x512xi32, #tpu.memory_space<hbm>>
    %dma_start3A_251 = arith.constant 0 : i32
    %dma_start3A_252 = arith.constant 0 : i32
    %dma_start3A_253 = tpu.memref_slice %arg10[%dma_start3A_244, %dma_start3A_251, %dma_start3A_252] : memref<2x40x512xi32, #tpu.memory_space<vmem>> -> memref<1x40x512xi32, #tpu.memory_space<vmem>>
    %dma_start3A_254 = tpu.memref_squeeze %dma_start3A_253 : memref<1x40x512xi32, #tpu.memory_space<vmem>> -> memref<40x512xi32, #tpu.memory_space<vmem>>
    %dma_start3A_255 = arith.constant 160 : i32
    %dma_start3A_256 = tpu.memref_slice %arg2[%dma_start3A_255, %mul3A_2] : memref<200x16384xi32, #tpu.memory_space<hbm>> -> memref<40x512xi32, #tpu.memory_space<hbm>>
    tpu.enqueue_dma source(%dma_start3A_256 : memref<40x512xi32, #tpu.memory_space<hbm>>) target(%dma_start3A_254 : memref<40x512xi32, #tpu.memory_space<vmem>>) target_semaphore(%arg12 : memref<!tpu.dma_semaphore, #tpu.memory_space<semaphore_mem>>)
    %dma_wait3A_257 = arith.constant 1 : i32
    %dma_wait3A_258 = arith.constant 0 : i32
    %dma_wait3A_259 = arith.constant 0 : i32
    %dma_wait3A_260 = tpu.memref_slice %arg10[%dma_wait3A_257, %dma_wait3A_258, %dma_wait3A_259] : memref<2x40x512xi32, #tpu.memory_space<vmem>> -> memref<1x40x512xi32, #tpu.memory_space<vmem>>
    %dma_wait3A_261 = tpu.memref_squeeze %dma_wait3A_260 : memref<1x40x512xi32, #tpu.memory_space<vmem>> -> memref<40x512xi32, #tpu.memory_space<vmem>>
    %dma_wait3A_262 = arith.constant 120 : i32
    %dma_wait3A_263 = tpu.memref_slice %arg2[%dma_wait3A_262, %mul3A_2] : memref<200x16384xi32, #tpu.memory_space<hbm>> -> memref<40x512xi32, #tpu.memory_space<hbm>>
    %dma_wait3A_264 = arith.constant 0 : i32
    %dma_wait3A_265 = arith.constant 0 : i32
    %dma_wait3A_266 = tpu.memref_slice %arg10[%dma_wait3A_257, %dma_wait3A_264, %dma_wait3A_265] : memref<2x40x512xi32, #tpu.memory_space<vmem>> -> memref<1x40x512xi32, #tpu.memory_space<vmem>>
    %dma_wait3A_267 = tpu.memref_squeeze %dma_wait3A_266 : memref<1x40x512xi32, #tpu.memory_space<vmem>> -> memref<40x512xi32, #tpu.memory_space<vmem>>
    %dma_wait3A_268 = arith.constant 120 : i32
    %dma_wait3A_269 = tpu.memref_slice %arg2[%dma_wait3A_268, %mul3A_2] : memref<200x16384xi32, #tpu.memory_space<hbm>> -> memref<40x512xi32, #tpu.memory_space<hbm>>
    tpu.wait_dma2 semaphore(%arg13 : memref<!tpu.dma_semaphore, #tpu.memory_space<semaphore_mem>>) src(%dma_wait3A_269 : memref<40x512xi32, #tpu.memory_space<hbm>>) dst(%dma_wait3A_267 : memref<40x512xi32, #tpu.memory_space<vmem>>)
    %dma_wait3A_270 = arith.constant 1 : i32
    %dma_wait3A_271 = arith.constant 0 : i32
    %dma_wait3A_272 = arith.constant 0 : i32
    %dma_wait3A_273 = tpu.memref_slice %arg10[%dma_wait3A_270, %dma_wait3A_271, %dma_wait3A_272] : memref<2x40x512xi32, #tpu.memory_space<vmem>> -> memref<1x40x512xi32, #tpu.memory_space<vmem>>
    %dma_wait3A_274 = tpu.memref_squeeze %dma_wait3A_273 : memref<1x40x512xi32, #tpu.memory_space<vmem>> -> memref<40x512xi32, #tpu.memory_space<vmem>>
    %dma_wait3A_275 = arith.constant 0 : i32
    %dma_wait3A_276 = arith.constant 0 : i32
    %dma_wait3A_277 = tpu.memref_slice %arg2[%dma_wait3A_275, %dma_wait3A_276] : memref<200x16384xi32, #tpu.memory_space<hbm>> -> memref<40x512xi32, #tpu.memory_space<hbm>>
    %dma_wait3A_278 = arith.constant 0 : i32
    %dma_wait3A_279 = arith.constant 0 : i32
    %dma_wait3A_280 = tpu.memref_slice %arg10[%dma_wait3A_270, %dma_wait3A_278, %dma_wait3A_279] : memref<2x40x512xi32, #tpu.memory_space<vmem>> -> memref<1x40x512xi32, #tpu.memory_space<vmem>>
    %dma_wait3A_281 = tpu.memref_squeeze %dma_wait3A_280 : memref<1x40x512xi32, #tpu.memory_space<vmem>> -> memref<40x512xi32, #tpu.memory_space<vmem>>
    %dma_wait3A_282 = arith.constant 0 : i32
    %dma_wait3A_283 = arith.constant 0 : i32
    %dma_wait3A_284 = tpu.memref_slice %arg2[%dma_wait3A_282, %dma_wait3A_283] : memref<200x16384xi32, #tpu.memory_space<hbm>> -> memref<40x512xi32, #tpu.memory_space<hbm>>
    tpu.wait_dma2 semaphore(%arg15 : memref<!tpu.dma_semaphore, #tpu.memory_space<semaphore_mem>>) src(%dma_wait3A_284 : memref<40x512xi32, #tpu.memory_space<hbm>>) dst(%dma_wait3A_281 : memref<40x512xi32, #tpu.memory_space<vmem>>)
    %parallel_loop3A_285 = arith.constant 0 : i32
    %parallel_loop3A_286 = arith.constant 40 : i32
    %parallel_loop3A_287 = arith.constant 1 : i32
    scf.for %parallel_loop3A_349 = %parallel_loop3A_285 to %parallel_loop3A_286 step %parallel_loop3A_287  : i32 {
      %parallel_loop3A_350 = arith.constant 0 : i32
      %parallel_loop3A_351 = arith.constant 512 : i32
      %parallel_loop3A_352 = arith.constant 16 : i32
      scf.for %parallel_loop3A_367 = %parallel_loop3A_350 to %parallel_loop3A_351 step %parallel_loop3A_352  : i32 {
        %parallel_loop3A_368 = arith.constant 1 : i32
        %parallel_loop3A_369 = arith.index_cast %parallel_loop3A_368 : i32 to index
        %parallel_loop3A_370 = arith.index_cast %parallel_loop3A_349 : i32 to index
        %parallel_loop3A_371 = arith.index_cast %parallel_loop3A_367 : i32 to index
        %parallel_loop3A_372 = tpu.vector_load %arg10[%parallel_loop3A_369, %parallel_loop3A_370, %parallel_loop3A_371] {strides = array<i32>} : memref<2x40x512xi32, #tpu.memory_space<vmem>>, vector<1x1x16xi32>,
        %parallel_loop3A_373 = vector.shape_cast %parallel_loop3A_372 : vector<1x1x16xi32> to vector<16xi32>
        %parallel_loop3A_374 = arith.constant 0 : i32
        %parallel_loop3A_375 = vector.broadcast %parallel_loop3A_374 : i32 to vector<16xi32>
        %parallel_loop3A_376 = arith.cmpi slt, %parallel_loop3A_373, %parallel_loop3A_375 : vector<16xi32>
        %parallel_loop3A_377 = arith.constant 16 : i32
        %parallel_loop3A_378 = vector.broadcast %parallel_loop3A_377 : i32 to vector<16xi32>
        %parallel_loop3A_379 = arith.addi %parallel_loop3A_373, %parallel_loop3A_378 : vector<16xi32>
        %parallel_loop3A_380 = arith.select %parallel_loop3A_376, %parallel_loop3A_379, %parallel_loop3A_373 : vector<16xi1>, vector<16xi32>
        %parallel_loop3A_381 = vector.shape_cast %parallel_loop3A_380 : vector<16xi32> to vector<16x1xi32>
        %parallel_loop3A_382 = vector.shape_cast %parallel_loop3A_381 : vector<16x1xi32> to vector<16xi32>
        %parallel_loop3A_383 = tpu.dynamic_gather %div3A_143[%parallel_loop3A_382] in [0] : vector<16xf32>, vector<16xi32> -> vector<16xf32>
        %parallel_loop3A_384 = arith.constant 1 : i32
        %parallel_loop3A_385 = arith.index_cast %parallel_loop3A_384 : i32 to index
        %parallel_loop3A_386 = arith.index_cast %parallel_loop3A_349 : i32 to index
        %parallel_loop3A_387 = arith.index_cast %parallel_loop3A_367 : i32 to index
        %parallel_loop3A_388 = tpu.vector_load %arg11[%parallel_loop3A_385, %parallel_loop3A_386, %parallel_loop3A_387] {strides = array<i32>} : memref<2x40x512xf32, #tpu.memory_space<vmem>>, vector<1x1x16xf32>,
        %parallel_loop3A_389 = vector.shape_cast %parallel_loop3A_388 : vector<1x1x16xf32> to vector<16xf32>
        %parallel_loop3A_390 = vector.shape_cast %parallel_loop3A_383 : vector<16xf32> to vector<1x1x16xf32>
        tpu.vector_store %arg11[%parallel_loop3A_385, %parallel_loop3A_386, %parallel_loop3A_387], %parallel_loop3A_390 {strides = array<i32>} : memref<2x40x512xf32, #tpu.memory_space<vmem>>, vector<1x1x16xf32>,
      } {sc.loop_unroll_factor = 8 : i64, sc.parallel_access}
      %parallel_loop3A_353 = arith.constant 120 : i32
      %parallel_loop3A_354 = arith.addi %parallel_loop3A_353, %parallel_loop3A_349 : i32
      %parallel_loop3A_355 = arith.constant 16384 : i32
      %parallel_loop3A_356 = arith.muli %parallel_loop3A_354, %parallel_loop3A_355 : i32
      %parallel_loop3A_357 = arith.addi %parallel_loop3A_356, %mul3A_2 : i32
      %parallel_loop3A_358 = arith.constant 1 : i32
      %parallel_loop3A_359 = arith.constant 0 : i32
      %parallel_loop3A_360 = tpu.memref_slice %arg11[%parallel_loop3A_358, %parallel_loop3A_349, %parallel_loop3A_359] : memref<2x40x512xf32, #tpu.memory_space<vmem>> -> memref<1x1x512xf32, #tpu.memory_space<vmem>>
      %parallel_loop3A_361 = tpu.memref_squeeze %parallel_loop3A_360 : memref<1x1x512xf32, #tpu.memory_space<vmem>> -> memref<512xf32, #tpu.memory_space<vmem>>
      %parallel_loop3A_362 = tpu.memref_slice %arg6[%parallel_loop3A_357] : memref<3276800xf32, #tpu.memory_space<hbm>> -> memref<512xf32, #tpu.memory_space<hbm>>
      %parallel_loop3A_363 = tpu.memref_slice %arg6[%parallel_loop3A_357] : memref<3276800xf32, #tpu.memory_space<hbm>> -> memref<512xf32, #tpu.memory_space<hbm>>
      %parallel_loop3A_364 = arith.constant 0 : i32
      %parallel_loop3A_365 = tpu.memref_slice %arg11[%parallel_loop3A_358, %parallel_loop3A_349, %parallel_loop3A_364] : memref<2x40x512xf32, #tpu.memory_space<vmem>> -> memref<1x1x512xf32, #tpu.memory_space<vmem>>
      %parallel_loop3A_366 = tpu.memref_squeeze %parallel_loop3A_365 : memref<1x1x512xf32, #tpu.memory_space<vmem>> -> memref<512xf32, #tpu.memory_space<vmem>>
      tpu.enqueue_dma source(%parallel_loop3A_366 : memref<512xf32, #tpu.memory_space<vmem>>) target(%parallel_loop3A_363 : memref<512xf32, #tpu.memory_space<hbm>>) target_semaphore(%arg15 : memref<!tpu.dma_semaphore, #tpu.memory_space<semaphore_mem>>)
    } {sc.loop_unroll_factor = 2 : i64, sc.parallel_access}
    %dma_wait3A_288 = arith.constant 0 : i32
    %dma_wait3A_289 = arith.constant 0 : i32
    %dma_wait3A_290 = arith.constant 0 : i32
    %dma_wait3A_291 = tpu.memref_slice %arg10[%dma_wait3A_288, %dma_wait3A_289, %dma_wait3A_290] : memref<2x40x512xi32, #tpu.memory_space<vmem>> -> memref<1x40x512xi32, #tpu.memory_space<vmem>>
    %dma_wait3A_292 = tpu.memref_squeeze %dma_wait3A_291 : memref<1x40x512xi32, #tpu.memory_space<vmem>> -> memref<40x512xi32, #tpu.memory_space<vmem>>
    %dma_wait3A_293 = arith.constant 160 : i32
    %dma_wait3A_294 = tpu.memref_slice %arg2[%dma_wait3A_293, %mul3A_2] : memref<200x16384xi32, #tpu.memory_space<hbm>> -> memref<40x512xi32, #tpu.memory_space<hbm>>
    %dma_wait3A_295 = arith.constant 0 : i32
    %dma_wait3A_296 = arith.constant 0 : i32
    %dma_wait3A_297 = tpu.memref_slice %arg10[%dma_wait3A_288, %dma_wait3A_295, %dma_wait3A_296] : memref<2x40x512xi32, #tpu.memory_space<vmem>> -> memref<1x40x512xi32, #tpu.memory_space<vmem>>
    %dma_wait3A_298 = tpu.memref_squeeze %dma_wait3A_297 : memref<1x40x512xi32, #tpu.memory_space<vmem>> -> memref<40x512xi32, #tpu.memory_space<vmem>>
    %dma_wait3A_299 = arith.constant 160 : i32
    %dma_wait3A_300 = tpu.memref_slice %arg2[%dma_wait3A_299, %mul3A_2] : memref<200x16384xi32, #tpu.memory_space<hbm>> -> memref<40x512xi32, #tpu.memory_space<hbm>>
    tpu.wait_dma2 semaphore(%arg12 : memref<!tpu.dma_semaphore, #tpu.memory_space<semaphore_mem>>) src(%dma_wait3A_300 : memref<40x512xi32, #tpu.memory_space<hbm>>) dst(%dma_wait3A_298 : memref<40x512xi32, #tpu.memory_space<vmem>>)
    %dma_wait3A_301 = arith.constant 0 : i32
    %dma_wait3A_302 = arith.constant 0 : i32
    %dma_wait3A_303 = arith.constant 0 : i32
    %dma_wait3A_304 = tpu.memref_slice %arg10[%dma_wait3A_301, %dma_wait3A_302, %dma_wait3A_303] : memref<2x40x512xi32, #tpu.memory_space<vmem>> -> memref<1x40x512xi32, #tpu.memory_space<vmem>>
    %dma_wait3A_305 = tpu.memref_squeeze %dma_wait3A_304 : memref<1x40x512xi32, #tpu.memory_space<vmem>> -> memref<40x512xi32, #tpu.memory_space<vmem>>
    %dma_wait3A_306 = arith.constant 0 : i32
    %dma_wait3A_307 = arith.constant 0 : i32
    %dma_wait3A_308 = tpu.memref_slice %arg2[%dma_wait3A_306, %dma_wait3A_307] : memref<200x16384xi32, #tpu.memory_space<hbm>> -> memref<40x512xi32, #tpu.memory_space<hbm>>
    %dma_wait3A_309 = arith.constant 0 : i32
    %dma_wait3A_310 = arith.constant 0 : i32
    %dma_wait3A_311 = tpu.memref_slice %arg10[%dma_wait3A_301, %dma_wait3A_309, %dma_wait3A_310] : memref<2x40x512xi32, #tpu.memory_space<vmem>> -> memref<1x40x512xi32, #tpu.memory_space<vmem>>
    %dma_wait3A_312 = tpu.memref_squeeze %dma_wait3A_311 : memref<1x40x512xi32, #tpu.memory_space<vmem>> -> memref<40x512xi32, #tpu.memory_space<vmem>>
    %dma_wait3A_313 = arith.constant 0 : i32
    %dma_wait3A_314 = arith.constant 0 : i32
    %dma_wait3A_315 = tpu.memref_slice %arg2[%dma_wait3A_313, %dma_wait3A_314] : memref<200x16384xi32, #tpu.memory_space<hbm>> -> memref<40x512xi32, #tpu.memory_space<hbm>>
    tpu.wait_dma2 semaphore(%arg14 : memref<!tpu.dma_semaphore, #tpu.memory_space<semaphore_mem>>) src(%dma_wait3A_315 : memref<40x512xi32, #tpu.memory_space<hbm>>) dst(%dma_wait3A_312 : memref<40x512xi32, #tpu.memory_space<vmem>>)
    %parallel_loop3A_316 = arith.constant 0 : i32
    %parallel_loop3A_317 = arith.constant 40 : i32
    %parallel_loop3A_318 = arith.constant 1 : i32
    scf.for %parallel_loop3A_349 = %parallel_loop3A_316 to %parallel_loop3A_317 step %parallel_loop3A_318  : i32 {
      %parallel_loop3A_350 = arith.constant 0 : i32
      %parallel_loop3A_351 = arith.constant 512 : i32
      %parallel_loop3A_352 = arith.constant 16 : i32
      scf.for %parallel_loop3A_367 = %parallel_loop3A_350 to %parallel_loop3A_351 step %parallel_loop3A_352  : i32 {
        %parallel_loop3A_368 = arith.constant 0 : i32
        %parallel_loop3A_369 = arith.index_cast %parallel_loop3A_368 : i32 to index
        %parallel_loop3A_370 = arith.index_cast %parallel_loop3A_349 : i32 to index
        %parallel_loop3A_371 = arith.index_cast %parallel_loop3A_367 : i32 to index
        %parallel_loop3A_372 = tpu.vector_load %arg10[%parallel_loop3A_369, %parallel_loop3A_370, %parallel_loop3A_371] {strides = array<i32>} : memref<2x40x512xi32, #tpu.memory_space<vmem>>, vector<1x1x16xi32>,
        %parallel_loop3A_373 = vector.shape_cast %parallel_loop3A_372 : vector<1x1x16xi32> to vector<16xi32>
        %parallel_loop3A_374 = arith.constant 0 : i32
        %parallel_loop3A_375 = vector.broadcast %parallel_loop3A_374 : i32 to vector<16xi32>
        %parallel_loop3A_376 = arith.cmpi slt, %parallel_loop3A_373, %parallel_loop3A_375 : vector<16xi32>
        %parallel_loop3A_377 = arith.constant 16 : i32
        %parallel_loop3A_378 = vector.broadcast %parallel_loop3A_377 : i32 to vector<16xi32>
        %parallel_loop3A_379 = arith.addi %parallel_loop3A_373, %parallel_loop3A_378 : vector<16xi32>
        %parallel_loop3A_380 = arith.select %parallel_loop3A_376, %parallel_loop3A_379, %parallel_loop3A_373 : vector<16xi1>, vector<16xi32>
        %parallel_loop3A_381 = vector.shape_cast %parallel_loop3A_380 : vector<16xi32> to vector<16x1xi32>
        %parallel_loop3A_382 = vector.shape_cast %parallel_loop3A_381 : vector<16x1xi32> to vector<16xi32>
        %parallel_loop3A_383 = tpu.dynamic_gather %div3A_143[%parallel_loop3A_382] in [0] : vector<16xf32>, vector<16xi32> -> vector<16xf32>
        %parallel_loop3A_384 = arith.constant 0 : i32
        %parallel_loop3A_385 = arith.index_cast %parallel_loop3A_384 : i32 to index
        %parallel_loop3A_386 = arith.index_cast %parallel_loop3A_349 : i32 to index
        %parallel_loop3A_387 = arith.index_cast %parallel_loop3A_367 : i32 to index
        %parallel_loop3A_388 = tpu.vector_load %arg11[%parallel_loop3A_385, %parallel_loop3A_386, %parallel_loop3A_387] {strides = array<i32>} : memref<2x40x512xf32, #tpu.memory_space<vmem>>, vector<1x1x16xf32>,
        %parallel_loop3A_389 = vector.shape_cast %parallel_loop3A_388 : vector<1x1x16xf32> to vector<16xf32>
        %parallel_loop3A_390 = vector.shape_cast %parallel_loop3A_383 : vector<16xf32> to vector<1x1x16xf32>
        tpu.vector_store %arg11[%parallel_loop3A_385, %parallel_loop3A_386, %parallel_loop3A_387], %parallel_loop3A_390 {strides = array<i32>} : memref<2x40x512xf32, #tpu.memory_space<vmem>>, vector<1x1x16xf32>,
      } {sc.loop_unroll_factor = 8 : i64, sc.parallel_access}
      %parallel_loop3A_353 = arith.constant 160 : i32
      %parallel_loop3A_354 = arith.addi %parallel_loop3A_353, %parallel_loop3A_349 : i32
      %parallel_loop3A_355 = arith.constant 16384 : i32
      %parallel_loop3A_356 = arith.muli %parallel_loop3A_354, %parallel_loop3A_355 : i32
      %parallel_loop3A_357 = arith.addi %parallel_loop3A_356, %mul3A_2 : i32
      %parallel_loop3A_358 = arith.constant 0 : i32
      %parallel_loop3A_359 = arith.constant 0 : i32
      %parallel_loop3A_360 = tpu.memref_slice %arg11[%parallel_loop3A_358, %parallel_loop3A_349, %parallel_loop3A_359] : memref<2x40x512xf32, #tpu.memory_space<vmem>> -> memref<1x1x512xf32, #tpu.memory_space<vmem>>
      %parallel_loop3A_361 = tpu.memref_squeeze %parallel_loop3A_360 : memref<1x1x512xf32, #tpu.memory_space<vmem>> -> memref<512xf32, #tpu.memory_space<vmem>>
      %parallel_loop3A_362 = tpu.memref_slice %arg6[%parallel_loop3A_357] : memref<3276800xf32, #tpu.memory_space<hbm>> -> memref<512xf32, #tpu.memory_space<hbm>>
      %parallel_loop3A_363 = tpu.memref_slice %arg6[%parallel_loop3A_357] : memref<3276800xf32, #tpu.memory_space<hbm>> -> memref<512xf32, #tpu.memory_space<hbm>>
      %parallel_loop3A_364 = arith.constant 0 : i32
      %parallel_loop3A_365 = tpu.memref_slice %arg11[%parallel_loop3A_358, %parallel_loop3A_349, %parallel_loop3A_364] : memref<2x40x512xf32, #tpu.memory_space<vmem>> -> memref<1x1x512xf32, #tpu.memory_space<vmem>>
      %parallel_loop3A_366 = tpu.memref_squeeze %parallel_loop3A_365 : memref<1x1x512xf32, #tpu.memory_space<vmem>> -> memref<512xf32, #tpu.memory_space<vmem>>
      tpu.enqueue_dma source(%parallel_loop3A_366 : memref<512xf32, #tpu.memory_space<vmem>>) target(%parallel_loop3A_363 : memref<512xf32, #tpu.memory_space<hbm>>) target_semaphore(%arg14 : memref<!tpu.dma_semaphore, #tpu.memory_space<semaphore_mem>>)
    } {sc.loop_unroll_factor = 2 : i64, sc.parallel_access}
    %dma_wait3A_319 = arith.constant 1 : i32
    %dma_wait3A_320 = arith.constant 0 : i32
    %dma_wait3A_321 = arith.constant 0 : i32
    %dma_wait3A_322 = tpu.memref_slice %arg10[%dma_wait3A_319, %dma_wait3A_320, %dma_wait3A_321] : memref<2x40x512xi32, #tpu.memory_space<vmem>> -> memref<1x40x512xi32, #tpu.memory_space<vmem>>
    %dma_wait3A_323 = tpu.memref_squeeze %dma_wait3A_322 : memref<1x40x512xi32, #tpu.memory_space<vmem>> -> memref<40x512xi32, #tpu.memory_space<vmem>>
    %dma_wait3A_324 = arith.constant 0 : i32
    %dma_wait3A_325 = arith.constant 0 : i32
    %dma_wait3A_326 = tpu.memref_slice %arg2[%dma_wait3A_324, %dma_wait3A_325] : memref<200x16384xi32, #tpu.memory_space<hbm>> -> memref<40x512xi32, #tpu.memory_space<hbm>>
    %dma_wait3A_327 = arith.constant 0 : i32
    %dma_wait3A_328 = arith.constant 0 : i32
    %dma_wait3A_329 = tpu.memref_slice %arg10[%dma_wait3A_319, %dma_wait3A_327, %dma_wait3A_328] : memref<2x40x512xi32, #tpu.memory_space<vmem>> -> memref<1x40x512xi32, #tpu.memory_space<vmem>>
    %dma_wait3A_330 = tpu.memref_squeeze %dma_wait3A_329 : memref<1x40x512xi32, #tpu.memory_space<vmem>> -> memref<40x512xi32, #tpu.memory_space<vmem>>
    %dma_wait3A_331 = arith.constant 0 : i32
    %dma_wait3A_332 = arith.constant 0 : i32
    %dma_wait3A_333 = tpu.memref_slice %arg2[%dma_wait3A_331, %dma_wait3A_332] : memref<200x16384xi32, #tpu.memory_space<hbm>> -> memref<40x512xi32, #tpu.memory_space<hbm>>
    tpu.wait_dma2 semaphore(%arg15 : memref<!tpu.dma_semaphore, #tpu.memory_space<semaphore_mem>>) src(%dma_wait3A_333 : memref<40x512xi32, #tpu.memory_space<hbm>>) dst(%dma_wait3A_330 : memref<40x512xi32, #tpu.memory_space<vmem>>)
    %dma_wait3A_334 = arith.constant 0 : i32
    %dma_wait3A_335 = arith.constant 0 : i32
    %dma_wait3A_336 = arith.constant 0 : i32
    %dma_wait3A_337 = tpu.memref_slice %arg10[%dma_wait3A_334, %dma_wait3A_335, %dma_wait3A_336] : memref<2x40x512xi32, #tpu.memory_space<vmem>> -> memref<1x40x512xi32, #tpu.memory_space<vmem>>
    %dma_wait3A_338 = tpu.memref_squeeze %dma_wait3A_337 : memref<1x40x512xi32, #tpu.memory_space<vmem>> -> memref<40x512xi32, #tpu.memory_space<vmem>>
    %dma_wait3A_339 = arith.constant 0 : i32
    %dma_wait3A_340 = arith.constant 0 : i32
    %dma_wait3A_341 = tpu.memref_slice %arg2[%dma_wait3A_339, %dma_wait3A_340] : memref<200x16384xi32, #tpu.memory_space<hbm>> -> memref<40x512xi32, #tpu.memory_space<hbm>>
    %dma_wait3A_342 = arith.constant 0 : i32
    %dma_wait3A_343 = arith.constant 0 : i32
    %dma_wait3A_344 = tpu.memref_slice %arg10[%dma_wait3A_334, %dma_wait3A_342, %dma_wait3A_343] : memref<2x40x512xi32, #tpu.memory_space<vmem>> -> memref<1x40x512xi32, #tpu.memory_space<vmem>>
    %dma_wait3A_345 = tpu.memref_squeeze %dma_wait3A_344 : memref<1x40x512xi32, #tpu.memory_space<vmem>> -> memref<40x512xi32, #tpu.memory_space<vmem>>
    %dma_wait3A_346 = arith.constant 0 : i32
    %dma_wait3A_347 = arith.constant 0 : i32
    %dma_wait3A_348 = tpu.memref_slice %arg2[%dma_wait3A_346, %dma_wait3A_347] : memref<200x16384xi32, #tpu.memory_space<hbm>> -> memref<40x512xi32, #tpu.memory_space<hbm>>
    tpu.wait_dma2 semaphore(%arg14 : memref<!tpu.dma_semaphore, #tpu.memory_space<semaphore_mem>>) src(%dma_wait3A_348 : memref<40x512xi32, #tpu.memory_space<hbm>>) dst(%dma_wait3A_345 : memref<40x512xi32, #tpu.memory_space<vmem>>)
    return
  }
}

</mosaic_0001>

<sc_bundles>
// kernel: kernel.3.cloned.1.call-start
scs
__scs_entry_jumppad:
0x0: {  	(pc) =	sbr.rel $0x88, $3  }
0x1: {  	(tag) =	ssettag $0x0;
	lr =	simm.s32 $0x1  }
0x2: {  	[smem:$0x3F9D] =	sst lr;
	_ =	strace $0xD0000000  }
0x3: {  	_ = 	snop  }
0x4: {  	_ = 	snop  }
0x5: {  	_ = 	snop  }
0x6: {  	_ = 	snop  }
0x7: {  	_ = 	snop  }
__scs_overlays_trampoline_lowered:
0x8: {  	[smem:$0x3FAC] =	sst s0  }
0x9: {  	[smem:$0x3FAD] =	sst s1  }
0xa: {  	[smem:$0x3FAE] =	sst s2  }
0xb: {  	[smem:$0x3FAF] =	sst s3  }
0xc: {  	[smem:$0x3FB0] =	sst s4  }
0xd: {  	[smem:$0x3FB1] =	sst s5  }
0xe: {  	[smem:$0x3FB2] =	sst s6  }
0xf: {  	[smem:$0x3FB3] =	sst s7  }
0x10: {  	[smem:$0x3FB4] =	sst s8  }
0x11: {  	[smem:$0x3FB5] =	sst s9;
	s0 =	simm.s32 @!p0 $0x0  }
0x12: {  	s1 =	sld [smem:$0x3F9B];
	s0 =	simm.s32 @p0 $0x1  }
0x13: {  	[smem:$0x3FB6] =	sst s0;
	s0 =	simm.s32 @!p1 $0x0  }
0x14: {  	s2 =	sld [smem:$0x3F9A];
	s0 =	simm.s32 @p1 $0x1  }
0x15: {  	[smem:$0x3FB7] =	sst s0;
	s0 =	simm.s32 @!p2 $0x0  }
0x16: {  	s3 =	sld [smem:$0x3FDB];
	s0 =	simm.s32 @p2 $0x1  }
0x17: {  	s4 =	simm.s32 $0x1BF5;
	[smem:$0x3FB9] =	sst s0  }
0x18: {  	s0 =	sld [smem:$0x3F9C];
	_ =	swait.ge [sflag:s4], $0x0  }
0x19: {  	s7 =	sld [smem:$0x3F9D]  }
0x1a: {  	s8 =	sadd.s32 $0xFFFFE003, lr  }
0x1b: {  	s9 =	sadd.s32 $0xFFFFFEF7, lr;
	s5 =	simm.s32 $0xFFFFFFFF;
	p2 =	slt.u32 s8, $0xFFFFF086  }
0x1c: {  	p1 =	slt.u32 s9, $0xF7A;
	s5 =	simm.s32 @!p2 $0x0  }
0x1d: {  	s5 =	simm.s32 @p1 $0x1;
	p0 =	seq.s32 s7, s2  }
0x1e: {  	s7 =	smul.u32 @!p0 $0xF7A, s2;
	p2 =	seq.s32 @!p0 s5, $0x0  }
0x1f: {  	s9 =	smul.u32 $0xF7A, s1;
	s8 =	simm.s32 @!p0 $0x1BF5;
	p2 =	por !p2, p0  }
0x20: {  	[sflag:s8] =	ssyncset.s32 @!p0 $0xFFFFF086;
	s6 =	sadd.s32 @!p0 s3, s7;
	s7 =	simm.s32 @!p0 $0x108  }
0x21: {  	s3 =	sadd.s32 s3, s9;
	s6 =	sadd.s32 @!p0 $0x88, s6;
	s7 =	simm.s32 @p2 $0x1082  }
0x22: {  	[simem:s7], [sflag:s8] =	dma.local @!p0 [hbm:s6], $0xF7A  }
0x23: {  	s9 =	sor.u32 $0xD0000000, s2;
	s6 =	simm.s32 $0x108;
	_ =	swait.ge @!p0 [sflag:s8], $0x0  }
0x24: {  	s3 =	sadd.s32 $0x88, s3;
	s6 =	simm.s32 @!p1 $0x1082;
	[sflag:s4] =	ssyncset.s32 $0xFFFFF086  }
0x25: {  	[simem:s6], [sflag:s4] =	dma.local [hbm:s3], $0xF7A  }
0x26: {  	[smem:$0x3F9D] =	sst s1;
	(tag) =	ssettag s2;
	_ =	strace s9  }
0x27: {  	s1 =	sld [smem:$0x3FAD]  }
0x28: {  	s2 =	sld [smem:$0x3FAE]  }
0x29: {  	s4 =	sld [smem:$0x3FB0]  }
0x2a: {  	p0 =	seq.s32 s5, $0x0;
	s5 =	sld [smem:$0x3FB1]  }
0x2b: {  	s6 =	sld [smem:$0x3FB2]  }
0x2c: {  	s7 =	sld [smem:$0x3FB3]  }
0x2d: {  	s3 =	simm.s32 $0x108;
	s8 =	sld [smem:$0x3FB4]  }
0x2e: {  	s3 =	simm.s32 @!p0 $0x1082;
	s9 =	sld [smem:$0x3FB5]  }
0x2f: {  	lr =	sadd.s32 s0, s3;
	s0 =	sld [smem:$0x3FAC]  }
0x30: {  	s3 =	sld [smem:$0x3FAF]  }
0x31: {  	[smem:$0x3FB8] =	sst s10  }
0x32: {  	s10 =	sld [smem:$0x3FB6];
	_ =	sdelay $0x3  }
0x33: {  	p0 =	seq.s32 s10, $0x1;
	s10 =	sld [smem:$0x3FB8];
	_ =	sdelay $0x3  }
0x34: {  	[smem:$0x3FB8] =	sst s10  }
0x35: {  	s10 =	sld [smem:$0x3FB7];
	_ =	sdelay $0x3  }
0x36: {  	p1 =	seq.s32 s10, $0x1;
	s10 =	sld [smem:$0x3FB8];
	_ =	sdelay $0x3  }
0x37: {  	[smem:$0x3FB8] =	sst s10  }
0x38: {  	s10 =	sld [smem:$0x3FB9]  }
0x39: {  	_ = 	snop;
	(pc) =	sbr.ind lr, $3  }
0x3a: {  	_ = 	snop  }
0x3b: {  	_ = 	snop  }
0x3c: {  	p2 =	seq.s32 s10, $0x1;
	s10 =	sld [smem:$0x3FB8]  }
0x3d: {  	_ =	shalt  }
0x3e: {  	_ =	shalt  }
0x3f: {  	_ =	shalt  }
0x40: {  	_ =	shalt  }
0x41: {  	_ =	shalt  }
0x42: {  	_ =	shalt  }
0x43: {  	_ =	shalt  }
0x44: {  	_ =	shalt  }
0x45: {  	_ =	shalt  }
0x46: {  	_ =	shalt  }
0x47: {  	_ =	shalt  }
0x48: {  	_ =	shalt  }
0x49: {  	_ =	shalt  }
0x4a: {  	_ =	shalt  }
0x4b: {  	_ =	shalt  }
0x4c: {  	_ =	shalt  }
0x4d: {  	_ =	shalt  }
0x4e: {  	_ =	shalt  }
0x4f: {  	_ =	shalt  }
0x50: {  	_ =	shalt  }
0x51: {  	_ =	shalt  }
0x52: {  	_ =	shalt  }
0x53: {  	_ =	shalt  }
0x54: {  	_ =	shalt  }
0x55: {  	_ =	shalt  }
0x56: {  	_ =	shalt  }
0x57: {  	_ =	shalt  }
0x58: {  	_ =	shalt  }
0x59: {  	_ =	shalt  }
0x5a: {  	_ =	shalt  }
0x5b: {  	_ =	shalt  }
0x5c: {  	_ =	shalt  }
0x5d: {  	_ =	shalt  }
0x5e: {  	_ =	shalt  }
0x5f: {  	_ =	shalt  }
0x60: {  	_ =	shalt  }
0x61: {  	_ =	shalt  }
0x62: {  	_ =	shalt  }
0x63: {  	_ =	shalt  }
0x64: {  	_ =	shalt  }
0x65: {  	_ =	shalt  }
0x66: {  	_ =	shalt  }
0x67: {  	_ =	shalt  }
0x68: {  	_ =	shalt  }
0x69: {  	_ =	shalt  }
0x6a: {  	_ =	shalt  }
0x6b: {  	_ =	shalt  }
0x6c: {  	_ =	shalt  }
0x6d: {  	_ =	shalt  }
0x6e: {  	_ =	shalt  }
0x6f: {  	_ =	shalt  }
0x70: {  	_ =	shalt  }
0x71: {  	_ =	shalt  }
0x72: {  	_ =	shalt  }
0x73: {  	_ =	shalt  }
0x74: {  	_ =	shalt  }
0x75: {  	_ =	shalt  }
0x76: {  	_ =	shalt  }
0x77: {  	_ =	shalt  }
0x78: {  	_ =	shalt  }
0x79: {  	_ =	shalt  }
0x7a: {  	_ =	shalt  }
0x7b: {  	_ =	shalt  }
0x7c: {  	_ =	shalt  }
0x7d: {  	_ =	shalt  }
0x7e: {  	_ =	shalt  }
0x7f: {  	_ =	shalt  }
0x80: {  	_ =	shalt  }
0x81: {  	_ =	shalt  }
0x82: {  	_ =	shalt  }
0x83: {  	_ =	shalt  }
0x84: {  	_ =	shalt  }
0x85: {  	_ =	shalt  }
0x86: {  	_ =	shalt  }
0x87: {  	_ =	shalt  }
.Lfunc_end0:
.L_simem_size_0:
called_computation_lowered:
.L_overlay_start_0:
0x88: {  	s2 =	sld [smem:$0x3FD9]  }
0x89: {  	s3 =	sld [smem:$0x3FFE];
	_ =	sdelay $0x1  }
0x8a: {  	s1 =	srdreg.scid  }
0x8b: {  	s0 =	sand.u32 $0x1, s1  }
0x8c: {  	s17 =	sshll.u32 s0, $0xA;
	s2 =	sadd.s32 s3, s2  }
0x8d: {  	s2 =	sadd.s32 s2, s17  }
0x8e: {  	[smem:$0x3FC4] =	sst s2  }
0x8f: {  	_ = 	snop  }
0x90: {  	s2 =	sld [smem:$0x3FC9]  }
0x91: {  	s18 =	sld [smem:$0x3FD0];
	(tm) =	ssettm $0x1  }
0x92: {  	s4 =	sld [smem:$0x3FFB];
	_ =	sdelay $0x3  }
0x93: {  	_ =	strace s4  }
0x94: {  	s4 =	sld [smem:$0x3FFC];
	_ =	sdelay $0x3  }
0x95: {  	_ =	strace s4  }
0x96: {  	s4 =	sld [smem:$0x3FFD];
	_ =	sdelay $0x3  }
0x97: {  	_ =	strace s4  }
0x98: {  	_ =	strace $0x8FFFFFFF  }
0x99: {  	s19 =	sld [smem:$0x3FDB];
	_ =	sdelay $0x1  }
0x9a: {  	s5 =	simm.s32 $_scs_section_size  }
0x9b: {  	s6 =	simm.s32 $_size__tile_overlayer_lowered;
	s7 =	simm.s32 $_tile_overlayer_lowered  }
0x9c: {  	s22 =	simm.s32 $0x1BFF;
	s21 =	sshll.u32 s7, $0x1;
	s4 =	sadd.s32 s5, s19  }
0x9d: {  	s8 =	simm.s32 $0x0;
	s20 =	sshll.u32 s6, $0x1;
	s6 =	sadd.s32 s21, s4  }
0x9e: {  	[timem:s8], [sflag:s22] =	dma.local [hbm:s6], s20  }
0x9f: {  	_ =	swait.ge [sflag:s22], s20  }
0xa0: {  	s5 =	ssub.s32 $0x0, s20;
	[sflag:s22] =	ssyncset.done $0x0  }
0xa1: {  	[sflag:s22] =	ssyncadd.s32 s5;
	_ =	sdelay $0x1  }
0xa2: {  	s23 =	simm.s32 $0x1B8B  }
0xa3: {  	_ =	swait.ge [sflag:s23], $0x1  }
0xa4: {  	[sflag:s23] =	ssyncset.done $0x0  }
0xa5: {  	s25 =	simm.s32 $0x1B8E;
	s24 =	sld [smem:$0x3FFE];
	[sflag:s23] =	ssyncadd.s32 $0xFFFFFFFF  }
0xa6: {  	s26 =	simm.s32 $execute0_lowered;
	[smem:$0x3FD2] =	sst s25  }
0xa7: {  	s6 =	sshll.u32 s26, $0x1;
	_ =	strace $0x80000046;
	[dreg:$0x1] =	wrdreg $0xFFFFFFFF  }
0xa8: {  	s28 =	simm.s32 $_size_execute0_lowered;
	s4 =	sadd.s32 s4, s6;
	[dreg:$0x0] =	wrdreg $0x0  }
0xa9: {  	s6 =	sshll.u32 s28, $0x1;
	[dreg:$0x2] =	wrdreg s4  }
0xaa: {  	[dreg:$0x3] =	wrdreg s6  }
0xab: {  	[dreg:$0x4] =	wrdreg $0xC0  }
0xac: {  	_ =	task [dreg:s8], $0x5FFFF  }
0xad: {  	[dreg:$0x1] =	wrdreg $0xFFFFFFFF  }
0xae: {  	[dreg:$0x0] =	wrdreg $0x60  }
0xaf: {  	[dreg:$0x2] =	wrdreg s2  }
0xb0: {  	[dreg:$0x3] =	wrdreg s24  }
0xb1: {  	[dreg:$0x4] =	wrdreg s18  }
0xb2: {  	[dreg:$0x5] =	wrdreg $0x9  }
0xb3: {  	_ =	task.clear_ibuf [dreg:s8], $0x6FFFF;
	_ =	strace $0x90000046  }
0xb4: {  	s29 =	simm.s32 $0x9;
	_ =	strace $0x80000048  }
0xb5: {  	_ =	swait.ge [sflag:s29], $0x1  }
0xb6: {  	[sflag:s29] =	ssyncadd.s32 $0xFFFFFFFF  }
0xb7: {  	_ =	strace $0x90000048  }
0xb8: {  	_ =	sfence  }
0xb9: {  	s30 =	sld [smem:$0x0];
	_ =	sdelay $0x2  }
0xba: {  	s31 =	sshll.u32 s1, $0xD;
	s1 =	sshrl.u32 s1, $0x2  }
0xbb: {  	s3 =	sand.u32 $0x4000, s31;
	s1 =	sadd.s32 s1, s30  }
0xbc: {  	s0 =	sor.u32 s3, s0;
	s1 =	sshll.u32 s1, $0x11  }
0xbd: {  	s0 =	sor.u32 s1, s0  }
0xbe: {  	s0 =	sadd.s32 $0x8F2B, s0  }
0xbf: {  	[sflag:s0] =	ssyncadd.remote.s32 $0x1  }
0xc0: {  	_ =	sfence.sel $0xFFFF  }
0xc1: {  	[dreg:$0x0] =	wrdreg $0xFFFFFFFF;
	(pc) =	sbr.abs _section_cstart, $3  }
0xc2: {  	[dreg:$0x1] =	wrdreg $0xFFFFFFFF  }
0xc3: {  	_ =	task.clear_ibuf [dreg:s8], $0x2FFFF;
	_ =	strace $0x9FFFFFFF  }
0xc4: {  	(tm) =	ssettm $0x7FFFFFFF  }
0xc5: {  	_ =	shalt  }
tec
execute0_lowered:
.L_overlay_start_1:
0x0: {  	(tag) =	ssettag $0x1  }
0x1: {  	s0 =	rddreg [dreg:$0x0]  }
0x2: {  	s3 =	rddreg [dreg:$0x1]  }
0x3: {  	s1 =	rddreg [dreg:$0x2]  }
0x4: {  	s2 =	simm.s32 $0x0;
	s4 =	srdreg.scid;
	s6 =	stileid.u32  }
0x5: {  	s28 =	simm.s32 $0x1000;
	s29 =	simm.s32 $0x1;
	s31 =	simm.s32 $0x3  }
0x6: {  	s30 =	simm.s32 $0x20000;
	[smem:$0x7FF] =	sst s2;
	s5 =	sadd.s32 $0x400, s3  }
0x7: {  	s4 =	sand.u32 $0x1, s4;
	s6 =	sshll.u32 s6, $0x9;
	s7 =	sadd.s32 $0x800, s3  }
0x8: {  	s3 =	sadd.s32 $0x600, s3;
	_ =	strace $0x80000047;
	[dreg:$0x4] =	wrdreg s5  }
0x9: {  	s20 =	ssub.s32 $0x2, s4;
	s4 =	sshll.u32 s4, $0xD;
	[dreg:$0x5] =	wrdreg s7  }
0xa: {  	[dreg:$0x6] =	wrdreg s3;
	s21 =	sshrl.u32 s20, $0x1;
	s6 =	sor.u32 s6, s4  }
0xb: {  	s3 =	simm.s32 $0x0;
	s22 =	ssub.s32 s20, s21;
	s0 =	sadd.s32 s0, s6  }
0xc: {  	s11 =	sor.u32 $0xA0000, s6;
	s12 =	sor.u32 $0xA4000, s6;
	s14 =	sor.u32 $0x140000, s6  }
0xd: {  	s15 =	sor.u32 $0x144000, s6;
	s23 =	sadd.s32 $0x14000, s0;
	[dreg:$0x7] =	wrdreg s0  }
0xe: {  	s17 =	sor.u32 $0x1E0000, s6;
	s24 =	sadd.s32 $0x28000, s0;
	[dreg:$0x8] =	wrdreg s23  }
0xf: {  	s18 =	sor.u32 $0x1E4000, s6;
	s25 =	sadd.s32 $0x3C000, s0;
	[dreg:$0x9] =	wrdreg s24  }
0x10: {  	s19 =	sor.u32 $0x280000, s6;
	s0 =	sadd.s32 $0x50000, s0;
	[dreg:$0xa] =	wrdreg s25  }
0x11: {  	s20 =	sor.u32 $0x284000, s6;
	s26 =	smax.u32 s22, $0x1;
	[dreg:$0xb] =	wrdreg s0  }
0x12: {  	[dreg:$0xc] =	wrdreg s26;
	s25 =	simm.s32 $0x5;
	s0 =	simm.s32 $0x4  }
.LBB2_1:
0x13: {  	s4 =	rddreg [dreg:$0x7];
	s5 =	simm.s32 $0x20000;
	s7 =	simm.s32 $0x1080  }
0x14: {  	[tilespmem:s7], [sflag:$0x1] =	stream.strided.gather [hbm4b:s4+s28], $0x5000, s5, s28, $0x38;
	[tilespmem:$0x15080] =	vst v63  }
0x15: {  	s16 =	rddreg [dreg:$0x4]  }
0x16: {  	[tilespmem:s2], [sflag:$0x5] =	stream.linear.gather [hbm4b:s16+s2], $0x500, $0x38;
	[tilespmem:$0x15080] =	vst v63  }
0x17: {  	_ =	swait.ge [sflag:s25], $0x500  }
0x18: {  	[sflag:s25] =	ssyncset.done $0x0  }
0x19: {  	s22 =	simm.s32 $0x800;
	s21 =	rddreg [dreg:$0x5];
	[sflag:s25] =	ssyncadd.s32 $0xFFFFFB00  }
0x1a: {  	[tilespmem:s22], [sflag:$0x5] =	stream.linear.gather [hbm4b:s21+s2], $0x500, $0x38;
	[tilespmem:$0x15080] =	vst v63  }
0x1b: {  	_ =	swait.ge [sflag:s25], $0x500  }
0x1c: {  	[sflag:s25] =	ssyncset.done $0x0  }
0x1d: {  	s23 =	rddreg [dreg:$0x6];
	[sflag:s25] =	ssyncadd.s32 $0xFFFFFB00  }
0x1e: {  	[tilespmem:s28], [sflag:$0x5] =	stream.linear.gather [hbm4b:s23+s2], $0x80, $0x38;
	[tilespmem:$0x15080] =	vst v63  }
0x1f: {  	_ =	swait.ge [sflag:s25], $0x80  }
0x20: {  	[sflag:s25] =	ssyncset.done $0x0  }
0x21: {  	[sflag:s25] =	ssyncadd.s32 $0xFFFFFF80  }
0x22: {  	v0 =	vld [tilespmem:$0x1000]  }
0x23: {  	v1 =	vld [tilespmem:$0x0]  }
0x24: {  	v2 =	vld [tilespmem:$0x800]  }
0x25: {  	v3 =	vld [tilespmem:$0x80]  }
0x26: {  	v4 =	vld [tilespmem:$0x880]  }
0x27: {  	v5 =	vld [tilespmem:$0x100]  }
0x28: {  	v6 =	vld [tilespmem:$0x900]  }
0x29: {  	v7 =	vld [tilespmem:$0x980];
	v1 =	vmul.f32 v2, v1  }
0x2a: {  	v2 =	vld [tilespmem:$0x180]  }
0x2b: {  	v56 =	vld [tilespmem:$0xA00];
	v0 =	vadd.f32 v1, v0;
	v1 =	vmul.f32 v4, v3  }
0x2c: {  	v3 =	vld [tilespmem:$0x200]  }
0x2d: {  	v57 =	vld [tilespmem:$0x280];
	v0 =	vadd.f32 v1, v0;
	v1 =	vmul.f32 v6, v5  }
0x2e: {  	v58 =	vld [tilespmem:$0xA80]  }
0x2f: {  	v59 =	vld [tilespmem:$0xB00];
	v0 =	vadd.f32 v1, v0;
	v1 =	vmul.f32 v7, v2  }
0x30: {  	v2 =	vld [tilespmem:$0x300]  }
0x31: {  	v60 =	vld [tilespmem:$0xB80];
	v0 =	vadd.f32 v1, v0;
	v1 =	vmul.f32 v56, v3  }
0x32: {  	v3 =	vld [tilespmem:$0x380]  }
0x33: {  	v61 =	vld [tilespmem:$0x400];
	v0 =	vadd.f32 v1, v0;
	v1 =	vmul.f32 v58, v57  }
0x34: {  	v62 =	vld [tilespmem:$0xC00]  }
0x35: {  	v63 =	vld [tilespmem:$0xC80];
	v0 =	vadd.f32 v1, v0;
	v1 =	vmul.f32 v59, v2  }
0x36: {  	v2 =	vld [tilespmem:$0x480]  }
0x37: {  	v0 =	vadd.f32 v1, v0;
	v1 =	vmul.f32 v60, v3;
	_ =	sdelay $0x1  }
0x38: {  	v0 =	vadd.f32 v1, v0;
	v1 =	vmul.f32 v62, v61;
	_ =	sdelay $0x1  }
0x39: {  	v0 =	vadd.f32 v1, v0;
	v1 =	vmul.f32 v63, v2;
	_ =	sdelay $0x1  }
0x3a: {  	v0 =	vadd.f32 v1, v0;
	_ =	sdelay $0x1  }
0x3b: {  	v0 =	vsub.f32 $0.0e+00, v0;
	_ =	sdelay $0x1  }
0x3c: {  	v0 =	vmul.f32 $1.442695020e+00, v0;
	_ =	sdelay $0x1  }
0x3d: {  	(erf) = vpow2.f32 v0;
	_ =	sdelay $0x8  }
0x3e: {  	v0 =	vpop (erf)  }
0x3f: {  	v0 =	vadd.f32 $1.000000000e+00, v0;
	_ =	sdelay $0x1  }
0x40: {  	(erf) = vrcp.f32 v0;
	_ =	sdelay $0x7  }
0x41: {  	s26 =	simm.s32 $0x6080;
	s24 =	rddreg [dreg:$0x8]  }
0x42: {  	[tilespmem:s26], [sflag:$0x2] =	stream.strided.gather [hbm4b:s24+s28], $0x5000, s5, s28, $0x38;
	v0 =	vpop (erf);
	[tilespmem:$0x15080] =	vst v63  }
0x43: {  	_ =	swait.ge [sflag:s29], $0x5000  }
0x44: {  	s4 =	simm.s32 $0x0;
	s7 =	simm.s32 $0x0;
	[sflag:s29] =	ssyncset.done $0x0  }
0x45: {  	s5 =	simm.s32 $0x0;
	s26 =	simm.s32 $0x0;
	[sflag:s29] =	ssyncadd.s32 $0xFFFFB000  }
.LBB2_2:
0x46: {  	s8 =	sshll.u32 s26, $0x2;
	s9 =	sand.u32 $0x3, s5  }
0x47: {  	s8 =	sand.u32 $0xFFFFC000, s8;
	s9 =	sshll.u32 s9, $0xA  }
0x48: {  	s9 =	sor.u32 s9, s8  }
0x49: {  	s13 =	sshrl.u32 s9, $0x2  }
0x4a: {  	s22 =	sadd.s32 $0x10C0, s13  }
0x4b: {  	v4 =	vld [tilespmem:s22+$0x30]  }
0x4c: {  	v5 =	vld [tilespmem:s22+$0xFFFFFFD0]  }
0x4d: {  	s23 =	sand.u32 $0x7, s4;
	v7 =	vld [tilespmem:s22+$0xFFFFFFE0]  }
0x4e: {  	s9 =	sshll.u32 s23, $0x9;
	v2 =	vld [tilespmem:s22+$0xFFFFFFF0]  }
0x4f: {  	s16 =	sshll.u32 s7, $0x9;
	s8 =	sor.u32 s9, s8;
	v1 =	vld [tilespmem:s22+$0x0]  }
0x50: {  	s24 =	sshll.u32 s7, $0x7;
	s21 =	simm.s32 $0x0;
	s8 =	sshrl.u32 s8, $0x2;
	v3 =	vld [tilespmem:s22+$0x10];
	v8 =	vperm.xlane v0, v4  }
0x51: {  	s9 =	sadd.s32 $0xB170, s8;
	s10 =	sadd.s32 $0x1170, s8;
	s8 =	sadd.s32 $0xB0C0, s13;
	v4 =	vld [tilespmem:s22+$0x20];
	v6 =	vperm.xlane v0, v5  }
0x52: {  	s13 =	sand.u32 $0x7000, s16;
	s16 =	sand.u32 $0x300, s24;
	v5 =	vld [tilespmem:s22+$0xFFFFFFC0];
	v7 =	vperm.xlane v0, v7;
	s22 =	sadd.s32 $0x400, s22;
	[tilespmem:s8+$0x30] =	vst v8  }
.LBB2_3:
0x53: {  	v8 =	vld [tilespmem:s22+$0x30];
	s21 =	sadd.s32 $0x80, s21;
	[tilespmem:s8+$0xFFFFFFD0] =	vst v6;
	v2 =	vperm.xlane v0, v2  }
0x54: {  	v6 =	vld [tilespmem:s22+$0xFFFFFFD0];
	p0 =	slt.u32 s21, $0x180;
	[tilespmem:s8+$0xFFFFFFE0] =	vst v7;
	v1 =	vperm.xlane v0, v1  }
0x55: {  	v7 =	vld [tilespmem:s22+$0xFFFFFFE0];
	[tilespmem:s8+$0xFFFFFFF0] =	vst v2;
	v3 =	vperm.xlane v0, v3  }
.Ltmp0:
0x56: {  	v2 =	vld [tilespmem:s22+$0xFFFFFFF0];
	[tilespmem:s8+$0x0] =	vst v1;
	v4 =	vperm.xlane v0, v4;
	(pc) =	sbr.rel @p0 .LBB2_3-.Ltmp0, $4  }
0x57: {  	v1 =	vld [tilespmem:s22+$0x0];
	v5 =	vperm.xlane v0, v5;
	[tilespmem:s8+$0x10] =	vst v3  }
0x58: {  	v3 =	vld [tilespmem:s22+$0x10];
	v8 =	vperm.xlane v0, v8;
	[tilespmem:s8+$0x20] =	vst v4  }
0x59: {  	v6 =	vperm.xlane v0, v6;
	v4 =	vld [tilespmem:s22+$0x20];
	[tilespmem:s8+$0xFFFFFFC0] =	vst v5;
	s8 =	sadd.s32 $0x400, s8  }
0x5a: {  	v5 =	vld [tilespmem:s22+$0xFFFFFFC0];
	v7 =	vperm.xlane v0, v7;
	[tilespmem:s8+$0x30] =	vst v8;
	s22 =	sadd.s32 $0x400, s22  }
0x5b: {  	[tilespmem:s8+$0xFFFFFFD0] =	vst v6;
	v2 =	vperm.xlane v0, v2  }
0x5c: {  	[tilespmem:s8+$0xFFFFFFE0] =	vst v7;
	v1 =	vperm.xlane v0, v1  }
0x5d: {  	[tilespmem:s8+$0xFFFFFFF0] =	vst v2;
	v2 =	vperm.xlane v0, v3  }
0x5e: {  	s21 =	sshll.u32 s7, $0xE;
	[tilespmem:s8+$0x0] =	vst v1;
	v1 =	vperm.xlane v0, v4  }
0x5f: {  	s21 =	sor.u32 s6, s21;
	v3 =	vperm.xlane v0, v5;
	[tilespmem:s8+$0x10] =	vst v2  }
0x60: {  	s13 =	sadd.s32 $0xB080, s13;
	s21 =	sshrl.u32 s21, $0x3;
	[tilespmem:s8+$0x20] =	vst v1  }
0x61: {  	s16 =	sadd.s32 s16, s13;
	[tilespmem:s8+$0xFFFFFFC0] =	vst v3;
	s8 =	sadd.s32 s1, s21  }
0x62: {  	[hbm4b:s8+s2] =	stream.linear.scatter [tilespmem:s16], [sflag:$0x3], $0x80, $0x38;
	[tilespmem:$0x15080] =	vst v63  }
0x63: {  	s24 =	sadd.s32 $0x400, s16;
	s22 =	sadd.s32 $0x10, s8  }
0x64: {  	[hbm4b:s22+s2] =	stream.linear.scatter [tilespmem:s24], [sflag:$0x3], $0x80, $0x38;
	[tilespmem:$0x15080] =	vst v63  }
0x65: {  	s23 =	sadd.s32 $0x20, s8;
	s22 =	sadd.s32 $0x800, s16  }
0x66: {  	[hbm4b:s23+s2] =	stream.linear.scatter [tilespmem:s22], [sflag:$0x3], $0x80, $0x38;
	[tilespmem:$0x15080] =	vst v63  }
0x67: {  	s8 =	sadd.s32 $0x30, s8;
	s16 =	sadd.s32 $0xC00, s16  }
0x68: {  	[hbm4b:s8+s2] =	stream.linear.scatter [tilespmem:s16], [sflag:$0x3], $0x80, $0x38;
	[tilespmem:$0x15080] =	vst v63  }
0x69: {  	v4 =	vld [tilespmem:s10+$0x0]  }
0x6a: {  	v5 =	vld [tilespmem:s10+$0xFFFFFFA0]  }
0x6b: {  	v7 =	vld [tilespmem:s10+$0xFFFFFFB0]  }
0x6c: {  	v3 =	vld [tilespmem:s10+$0xFFFFFFC0]  }
0x6d: {  	v1 =	vld [tilespmem:s10+$0xFFFFFFD0]  }
0x6e: {  	s16 =	sor.u32 $0x1, s7;
	v2 =	vld [tilespmem:s10+$0xFFFFFFE0];
	v8 =	vperm.xlane v0, v4  }
0x6f: {  	s24 =	sshll.u32 s16, $0x7;
	v4 =	vld [tilespmem:s10+$0xFFFFFFF0];
	v6 =	vperm.xlane v0, v5  }
0x70: {  	s21 =	simm.s32 $0x0;
	s8 =	sand.u32 $0x380, s24;
	v5 =	vld [tilespmem:s10+$0xFFFFFF90];
	v7 =	vperm.xlane v0, v7;
	s10 =	sadd.s32 $0x400, s10;
	[tilespmem:s9+$0x0] =	vst v8  }
.LBB2_5:
0x71: {  	v8 =	vld [tilespmem:s10+$0x0];
	s21 =	sadd.s32 $0x80, s21;
	[tilespmem:s9+$0xFFFFFFA0] =	vst v6;
	v3 =	vperm.xlane v0, v3  }
0x72: {  	v6 =	vld [tilespmem:s10+$0xFFFFFFA0];
	p0 =	slt.u32 s21, $0x180;
	[tilespmem:s9+$0xFFFFFFB0] =	vst v7;
	v1 =	vperm.xlane v0, v1  }
0x73: {  	v7 =	vld [tilespmem:s10+$0xFFFFFFB0];
	[tilespmem:s9+$0xFFFFFFC0] =	vst v3;
	v2 =	vperm.xlane v0, v2  }
.Ltmp1:
0x74: {  	v3 =	vld [tilespmem:s10+$0xFFFFFFC0];
	[tilespmem:s9+$0xFFFFFFD0] =	vst v1;
	v4 =	vperm.xlane v0, v4;
	(pc) =	sbr.rel @p0 .LBB2_5-.Ltmp1, $4  }
0x75: {  	v1 =	vld [tilespmem:s10+$0xFFFFFFD0];
	v5 =	vperm.xlane v0, v5;
	[tilespmem:s9+$0xFFFFFFE0] =	vst v2  }
0x76: {  	v2 =	vld [tilespmem:s10+$0xFFFFFFE0];
	v8 =	vperm.xlane v0, v8;
	[tilespmem:s9+$0xFFFFFFF0] =	vst v4  }
0x77: {  	v6 =	vperm.xlane v0, v6;
	v4 =	vld [tilespmem:s10+$0xFFFFFFF0];
	[tilespmem:s9+$0xFFFFFF90] =	vst v5;
	s9 =	sadd.s32 $0x400, s9  }
0x78: {  	v5 =	vld [tilespmem:s10+$0xFFFFFF90];
	v7 =	vperm.xlane v0, v7;
	[tilespmem:s9+$0x0] =	vst v8;
	s10 =	sadd.s32 $0x400, s10  }
0x79: {  	[tilespmem:s9+$0xFFFFFFA0] =	vst v6;
	v3 =	vperm.xlane v0, v3  }
0x7a: {  	[tilespmem:s9+$0xFFFFFFB0] =	vst v7;
	v1 =	vperm.xlane v0, v1  }
0x7b: {  	[tilespmem:s9+$0xFFFFFFC0] =	vst v3;
	v2 =	vperm.xlane v0, v2  }
0x7c: {  	s10 =	sshll.u32 s16, $0xE;
	[tilespmem:s9+$0xFFFFFFD0] =	vst v1;
	v1 =	vperm.xlane v0, v4  }
0x7d: {  	s10 =	sor.u32 s6, s10;
	v3 =	vperm.xlane v0, v5;
	[tilespmem:s9+$0xFFFFFFE0] =	vst v2  }
0x7e: {  	s10 =	sshrl.u32 s10, $0x3;
	[tilespmem:s9+$0xFFFFFFF0] =	vst v1  }
0x7f: {  	s8 =	sadd.s32 s8, s13;
	p0 =	slt.u32 s7, $0x26;
	s24 =	sadd.s32 s1, s10;
	[tilespmem:s9+$0xFFFFFF90] =	vst v3  }
0x80: {  	[hbm4b:s24+s2] =	stream.linear.scatter [tilespmem:s8], [sflag:$0x3], $0x80, $0x38;
	[tilespmem:$0x15080] =	vst v63  }
0x81: {  	s26 =	sadd.s32 $0x400, s26;
	s16 =	sadd.s32 $0x400, s8;
	s21 =	sadd.s32 $0x10, s24  }
0x82: {  	[hbm4b:s21+s2] =	stream.linear.scatter [tilespmem:s16], [sflag:$0x3], $0x80, $0x38;
	[tilespmem:$0x15080] =	vst v63  }
.Ltmp2:
0x83: {  	s5 =	sadd.s32 $0x1, s5;
	s22 =	sadd.s32 $0x800, s8;
	(pc) =	sbr.rel @p0 .LBB2_2-.Ltmp2, $4  }
0x84: {  	s23 =	sadd.s32 $0x20, s24;
	s9 =	sadd.s32 $0x30, s24;
	s24 =	sadd.s32 $0x2, s7  }
0x85: {  	[hbm4b:s23+s2] =	stream.linear.scatter [tilespmem:s22], [sflag:$0x3], $0x80, $0x38;
	[tilespmem:$0x15080] =	vst v63  }
0x86: {  	s4 =	sadd.s32 $0x2, s4;
	s8 =	sadd.s32 $0xC00, s8;
	s7 =	smov.u32 s24  }
0x87: {  	[hbm4b:s9+s2] =	stream.linear.scatter [tilespmem:s8], [sflag:$0x3], $0x80, $0x38;
	[tilespmem:$0x15080] =	vst v63  }
0x88: {  	s4 =	rddreg [dreg:$0x9];
	s5 =	simm.s32 $0x1080  }
0x89: {  	[tilespmem:s5], [sflag:$0x1] =	stream.strided.gather [hbm4b:s4+s28], $0x5000, s30, s28, $0x38;
	[tilespmem:$0x15080] =	vst v63  }
0x8a: {  	s28 =	simm.s32 $0x2  }
0x8b: {  	_ =	swait.ge [sflag:s28], $0x5000  }
0x8c: {  	s26 =	simm.s32 $0x0;
	[sflag:s28] =	ssyncset.done $0x0  }
0x8d: {  	s5 =	simm.s32 $0x0;
	s4 =	simm.s32 $0x0;
	[sflag:s28] =	ssyncadd.s32 $0xFFFFB000  }
.LBB2_8:
0x8e: {  	s7 =	sshll.u32 s4, $0xA  }
0x8f: {  	s8 =	sand.u32 $0x3FFFF000, s26;
	s7 =	sand.u32 $0xC00, s7  }
0x90: {  	s28 =	sadd.s32 $0x1080, s8;
	s10 =	sshrl.u32 s7, $0x2  }
0x91: {  	s13 =	sadd.s32 s10, s28  }
0x92: {  	v1 =	vld [tilespmem:s13+$0x5070]  }
0x93: {  	v2 =	vld [tilespmem:s13+$0x5000]  }
0x94: {  	v3 =	vld [tilespmem:s13+$0x5010]  }
0x95: {  	v7 =	vld [tilespmem:s13+$0x5050]  }
0x96: {  	v4 =	vld [tilespmem:s13+$0x5020]  }
0x97: {  	s7 =	sadd.s32 $0xB080, s8;
	v5 =	vld [tilespmem:s13+$0x5030];
	v1 =	vperm.xlane v0, v1  }
0x98: {  	s9 =	sadd.s32 $0x400, s28;
	s21 =	sadd.s32 s10, s7;
	v6 =	vld [tilespmem:s13+$0x5040];
	v2 =	vperm.xlane v0, v2  }
0x99: {  	s16 =	sadd.s32 s10, s9;
	v8 =	vld [tilespmem:s13+$0x5060];
	v3 =	vperm.xlane v0, v3;
	[tilespmem:s21+$0x5070] =	vst v1  }
0x9a: {  	v9 =	vld [tilespmem:s16+$0x5070];
	v10 =	vperm.xlane v0, v7;
	[tilespmem:s21+$0x5000] =	vst v2  }
0x9b: {  	v1 =	vperm.xlane v0, v4;
	v4 =	vld [tilespmem:s16+$0x5000];
	[tilespmem:s21+$0x5010] =	vst v3  }
0x9c: {  	v3 =	vperm.xlane v0, v5;
	v2 =	vld [tilespmem:s16+$0x5010];
	[tilespmem:s21+$0x5050] =	vst v10  }
0x9d: {  	s23 =	sshll.u32 s5, $0x9;
	v5 =	vperm.xlane v0, v6;
	[tilespmem:s21+$0x5020] =	vst v1;
	v1 =	vld [tilespmem:s16+$0x5020]  }
0x9e: {  	s24 =	sshll.u32 s5, $0x7;
	s8 =	sand.u32 $0x7000, s23;
	s22 =	sadd.s32 $0x400, s9;
	v7 =	vperm.xlane v0, v8;
	[tilespmem:s21+$0x5030] =	vst v3;
	v3 =	vld [tilespmem:s16+$0x5030]  }
0x9f: {  	s23 =	sadd.s32 $0x400, s7;
	s13 =	sand.u32 $0x300, s24;
	s24 =	simm.s32 $0x80;
	v6 =	vperm.xlane v0, v9;
	[tilespmem:s21+$0x5040] =	vst v5;
	v5 =	vld [tilespmem:s16+$0x5040]  }
.LBB2_9:
0xa0: {  	s24 =	sadd.s32 $0x80, s24;
	v4 =	vperm.xlane v0, v4;
	v8 =	vld [tilespmem:s16+$0x5050];
	[tilespmem:s21+$0x5060] =	vst v7;
	s21 =	sadd.s32 s10, s23  }
0xa1: {  	p0 =	slt.u32 s24, $0x180;
	v2 =	vperm.xlane v0, v2;
	v7 =	vld [tilespmem:s16+$0x5060];
	s16 =	sadd.s32 s10, s22;
	[tilespmem:s21+$0x5070] =	vst v6  }
0xa2: {  	v6 =	vld [tilespmem:s16+$0x5070];
	[tilespmem:s21+$0x5000] =	vst v4;
	v1 =	vperm.xlane v0, v1  }
.Ltmp3:
0xa3: {  	v4 =	vld [tilespmem:s16+$0x5000];
	[tilespmem:s21+$0x5010] =	vst v2;
	v3 =	vperm.xlane v0, v3;
	(pc) =	sbr.rel @p0 .LBB2_9-.Ltmp3, $4  }
0xa4: {  	v2 =	vld [tilespmem:s16+$0x5010];
	[tilespmem:s21+$0x5020] =	vst v1;
	v5 =	vperm.xlane v0, v5  }
0xa5: {  	v1 =	vld [tilespmem:s16+$0x5020];
	[tilespmem:s21+$0x5030] =	vst v3;
	v8 =	vperm.xlane v0, v8  }
0xa6: {  	v3 =	vld [tilespmem:s16+$0x5030];
	[tilespmem:s21+$0x5040] =	vst v5;
	v7 =	vperm.xlane v0, v7  }
0xa7: {  	s23 =	sadd.s32 $0x400, s23;
	s22 =	sadd.s32 $0x400, s22;
	v5 =	vld [tilespmem:s16+$0x5040];
	v6 =	vperm.xlane v0, v6;
	[tilespmem:s21+$0x5050] =	vst v8  }
0xa8: {  	v4 =	vperm.xlane v0, v4;
	s22 =	sadd.s32 s10, s23;
	v8 =	vld [tilespmem:s16+$0x5050];
	[tilespmem:s21+$0x5060] =	vst v7  }
0xa9: {  	v7 =	vld [tilespmem:s16+$0x5060];
	v2 =	vperm.xlane v0, v2;
	[tilespmem:s22+$0x5070] =	vst v6  }
0xaa: {  	[tilespmem:s22+$0x5000] =	vst v4;
	v1 =	vperm.xlane v0, v1  }
0xab: {  	[tilespmem:s22+$0x5010] =	vst v2;
	v2 =	vperm.xlane v0, v3  }
0xac: {  	[tilespmem:s22+$0x5020] =	vst v1;
	v1 =	vperm.xlane v0, v5  }
0xad: {  	s16 =	sshll.u32 s5, $0xE;
	[tilespmem:s22+$0x5030] =	vst v2;
	v2 =	vperm.xlane v0, v8  }
0xae: {  	s23 =	sadd.s32 s11, s16;
	[tilespmem:s22+$0x5040] =	vst v1;
	v1 =	vperm.xlane v0, v7  }
0xaf: {  	s21 =	sadd.s32 $0x10080, s8;
	s24 =	sshrl.u32 s23, $0x3;
	[tilespmem:s22+$0x5050] =	vst v2  }
0xb0: {  	s8 =	sadd.s32 s1, s24;
	[tilespmem:s22+$0x5060] =	vst v1;
	s22 =	sadd.s32 s13, s21  }
0xb1: {  	[hbm4b:s8+s2] =	stream.linear.scatter [tilespmem:s22], [sflag:$0x4], $0x80, $0x38;
	[tilespmem:$0x15080] =	vst v63  }
0xb2: {  	s24 =	sadd.s32 $0x10, s8;
	s23 =	sadd.s32 $0x400, s22  }
0xb3: {  	v1 =	vmov s10;
	[hbm4b:s24+s2] =	stream.linear.scatter [tilespmem:s23], [sflag:$0x4], $0x80, $0x38;
	[tilespmem:$0x15080] =	vst v63  }
0xb4: {  	s23 =	sadd.s32 $0x800, s22;
	s24 =	sadd.s32 $0x20, s8  }
0xb5: {  	[hbm4b:s24+s2] =	stream.linear.scatter [tilespmem:s23], [sflag:$0x4], $0x80, $0x38;
	[tilespmem:$0x15080] =	vst v63  }
0xb6: {  	s8 =	sadd.s32 $0x30, s8;
	s24 =	sadd.s32 $0xC00, s22  }
0xb7: {  	[hbm4b:s8+s2] =	stream.linear.scatter [tilespmem:s24], [sflag:$0x4], $0x80, $0x38;
	[tilespmem:$0x15080] =	vst v63  }
0xb8: {  	v6 =	vld.idx.msk [tilespmem:v1+s28+$0x50F0 ss:$0x1], $0xffff  }
0xb9: {  	v9 =	vld.idx.msk [tilespmem:v1+s28+$0x5090 ss:$0x1], $0xffff  }
0xba: {  	v7 =	vld.idx.msk [tilespmem:v1+s28+$0x50A0 ss:$0x1], $0xffff  }
0xbb: {  	v5 =	vld.idx.msk [tilespmem:v1+s28+$0x50B0 ss:$0x1], $0xffff  }
0xbc: {  	v4 =	vld.idx.msk [tilespmem:v1+s28+$0x50C0 ss:$0x1], $0xffff  }
0xbd: {  	v3 =	vld.idx.msk [tilespmem:v1+s28+$0x50D0 ss:$0x1], $0xffff  }
0xbe: {  	v2 =	vld.idx.msk [tilespmem:v1+s28+$0x50E0 ss:$0x1], $0xffff;
	v8 =	vperm.xlane v0, v6  }
0xbf: {  	s10 =	simm.s32 $0x0;
	s8 =	sor.u32 $0x80, s13;
	v6 =	vld.idx.msk [tilespmem:v1+s28+$0x5080 ss:$0x1], $0xffff;
	v9 =	vperm.xlane v0, v9  }
.LBB2_11:
0xc0: {  	v10 =	vld.idx.msk [tilespmem:v1+s9+$0x50F0 ss:$0x1], $0xffff;
	s10 =	sadd.s32 $0x80, s10;
	v11 =	vperm.xlane v0, v7;
	[tilespmem:v1+s7+$0x50F0 ss:$0x1] =	vst.idx.msk $0xffff, v8  }
0xc1: {  	v8 =	vperm.xlane v0, v5;
	v12 =	vld.idx.msk [tilespmem:v1+s9+$0x5090 ss:$0x1], $0xffff;
	p0 =	slt.u32 s10, $0x180;
	[tilespmem:v1+s7+$0x5090 ss:$0x1] =	vst.idx.msk $0xffff, v9  }
0xc2: {  	v9 =	vperm.xlane v0, v4;
	v7 =	vld.idx.msk [tilespmem:v1+s9+$0x50A0 ss:$0x1], $0xffff;
	[tilespmem:v1+s7+$0x50A0 ss:$0x1] =	vst.idx.msk $0xffff, v11  }
.Ltmp4:
0xc3: {  	v5 =	vld.idx.msk [tilespmem:v1+s9+$0x50B0 ss:$0x1], $0xffff;
	[tilespmem:v1+s7+$0x50B0 ss:$0x1] =	vst.idx.msk $0xffff, v8;
	v8 =	vperm.xlane v0, v3;
	(pc) =	sbr.rel @p0 .LBB2_11-.Ltmp4, $4  }
0xc4: {  	v4 =	vld.idx.msk [tilespmem:v1+s9+$0x50C0 ss:$0x1], $0xffff;
	[tilespmem:v1+s7+$0x50C0 ss:$0x1] =	vst.idx.msk $0xffff, v9;
	v9 =	vperm.xlane v0, v2  }
0xc5: {  	v11 =	vperm.xlane v0, v6;
	v3 =	vld.idx.msk [tilespmem:v1+s9+$0x50D0 ss:$0x1], $0xffff;
	[tilespmem:v1+s7+$0x50D0 ss:$0x1] =	vst.idx.msk $0xffff, v8  }
0xc6: {  	v8 =	vperm.xlane v0, v10;
	v2 =	vld.idx.msk [tilespmem:v1+s9+$0x50E0 ss:$0x1], $0xffff;
	[tilespmem:v1+s7+$0x50E0 ss:$0x1] =	vst.idx.msk $0xffff, v9  }
0xc7: {  	v9 =	vperm.xlane v0, v12;
	v6 =	vld.idx.msk [tilespmem:v1+s9+$0x5080 ss:$0x1], $0xffff;
	s9 =	sadd.s32 $0x400, s9;
	[tilespmem:v1+s7+$0x5080 ss:$0x1] =	vst.idx.msk $0xffff, v11;
	s7 =	sadd.s32 $0x400, s7  }
0xc8: {  	_ =	sdelay $0x3  }
0xc9: {  	v7 =	vperm.xlane v0, v7;
	[tilespmem:v1+s7+$0x50F0 ss:$0x1] =	vst.idx.msk $0xffff, v8  }
0xca: {  	v5 =	vperm.xlane v0, v5;
	[tilespmem:v1+s7+$0x5090 ss:$0x1] =	vst.idx.msk $0xffff, v9  }
0xcb: {  	v4 =	vperm.xlane v0, v4;
	[tilespmem:v1+s7+$0x50A0 ss:$0x1] =	vst.idx.msk $0xffff, v7  }
0xcc: {  	[tilespmem:v1+s7+$0x50B0 ss:$0x1] =	vst.idx.msk $0xffff, v5;
	v3 =	vperm.xlane v0, v3  }
0xcd: {  	[tilespmem:v1+s7+$0x50C0 ss:$0x1] =	vst.idx.msk $0xffff, v4;
	v2 =	vperm.xlane v0, v2  }
0xce: {  	s9 =	sadd.s32 s12, s16;
	v63 =	vperm.xlane v0, v6;
	[tilespmem:v1+s7+$0x50D0 ss:$0x1] =	vst.idx.msk $0xffff, v3  }
0xcf: {  	s9 =	sshrl.u32 s9, $0x3;
	[tilespmem:v1+s7+$0x50E0 ss:$0x1] =	vst.idx.msk $0xffff, v2  }
0xd0: {  	s8 =	sadd.s32 s8, s21;
	s16 =	sadd.s32 s1, s9;
	[tilespmem:v1+s7+$0x5080 ss:$0x1] =	vst.idx.msk $0xffff, v63  }
0xd1: {  	[hbm4b:s16+s2] =	stream.linear.scatter [tilespmem:s8], [sflag:$0x4], $0x80, $0x38;
	[tilespmem:$0x15080] =	vst v63  }
0xd2: {  	p0 =	slt.u32 s5, $0x26;
	s22 =	sadd.s32 $0x400, s8;
	s10 =	sadd.s32 $0x10, s16  }
0xd3: {  	[hbm4b:s10+s2] =	stream.linear.scatter [tilespmem:s22], [sflag:$0x4], $0x80, $0x38;
	[tilespmem:$0x15080] =	vst v63  }
.Ltmp5:
0xd4: {  	s28 =	sadd.s32 $0x2, s5;
	s4 =	sadd.s32 $0x1, s4;
	(pc) =	sbr.rel @p0 .LBB2_8-.Ltmp5, $4  }
0xd5: {  	s26 =	sadd.s32 $0x400, s26;
	s23 =	sadd.s32 $0x800, s8;
	s24 =	sadd.s32 $0x20, s16  }
0xd6: {  	[hbm4b:s24+s2] =	stream.linear.scatter [tilespmem:s23], [sflag:$0x4], $0x80, $0x38;
	[tilespmem:$0x15080] =	vst v63  }
0xd7: {  	s5 =	smov.u32 s28;
	s7 =	sadd.s32 $0x30, s16;
	s8 =	sadd.s32 $0xC00, s8  }
0xd8: {  	[hbm4b:s7+s2] =	stream.linear.scatter [tilespmem:s8], [sflag:$0x4], $0x80, $0x38;
	[tilespmem:$0x15080] =	vst v63  }
0xd9: {  	s4 =	rddreg [dreg:$0xa];
	s26 =	simm.s32 $0x1000;
	s5 =	simm.s32 $0x6080  }
0xda: {  	[tilespmem:s5], [sflag:$0x2] =	stream.strided.gather [hbm4b:s4+s26], $0x5000, s30, s26, $0x38;
	[tilespmem:$0x15080] =	vst v63  }
0xdb: {  	_ =	swait.ge [sflag:s29], $0x5000  }
0xdc: {  	[sflag:s29] =	ssyncset.done $0x0  }
0xdd: {  	[sflag:s29] =	ssyncadd.s32 $0xFFFFB000  }
0xde: {  	_ =	swait.ge [sflag:s31], $0x5000  }
0xdf: {  	s7 =	simm.s32 $0x0;
	[sflag:s31] =	ssyncset.done $0x0  }
0xe0: {  	s4 =	simm.s32 $0x0;
	s5 =	simm.s32 $0x0;
	[sflag:s31] =	ssyncadd.s32 $0xFFFFB000  }
.LBB2_14:
0xe1: {  	s8 =	sshll.u32 s5, $0x2;
	s9 =	sand.u32 $0x3, s4  }
0xe2: {  	s8 =	sand.u32 $0xFFFFC000, s8;
	s9 =	sshll.u32 s9, $0xA  }
0xe3: {  	s8 =	sor.u32 s9, s8  }
0xe4: {  	s8 =	sshrl.u32 s8, $0x2  }
0xe5: {  	s22 =	sadd.s32 $0x10C0, s8  }
0xe6: {  	v4 =	vld [tilespmem:s22+$0x30]  }
0xe7: {  	v5 =	vld [tilespmem:s22+$0xFFFFFFD0]  }
0xe8: {  	v7 =	vld [tilespmem:s22+$0xFFFFFFE0]  }
0xe9: {  	v2 =	vld [tilespmem:s22+$0xFFFFFFF0]  }
0xea: {  	s13 =	sshll.u32 s7, $0x9;
	v1 =	vld [tilespmem:s22+$0x0]  }
0xeb: {  	s28 =	sshll.u32 s7, $0x7;
	s16 =	sand.u32 $0x7000, s13;
	v3 =	vld [tilespmem:s22+$0x10];
	v8 =	vperm.xlane v0, v4  }
0xec: {  	s9 =	sadd.s32 $0xB170, s8;
	s10 =	sadd.s32 $0x1170, s8;
	s8 =	sadd.s32 $0xB0C0, s8;
	v4 =	vld [tilespmem:s22+$0x20];
	v6 =	vperm.xlane v0, v5  }
0xed: {  	s21 =	sand.u32 $0x300, s28;
	s13 =	simm.s32 $0x0;
	v5 =	vld [tilespmem:s22+$0xFFFFFFC0];
	v7 =	vperm.xlane v0, v7;
	s22 =	sadd.s32 $0x400, s22;
	[tilespmem:s8+$0x30] =	vst v8  }
.LBB2_15:
0xee: {  	v8 =	vld [tilespmem:s22+$0x30];
	s13 =	sadd.s32 $0x80, s13;
	[tilespmem:s8+$0xFFFFFFD0] =	vst v6;
	v2 =	vperm.xlane v0, v2  }
0xef: {  	v6 =	vld [tilespmem:s22+$0xFFFFFFD0];
	p0 =	slt.u32 s13, $0x180;
	[tilespmem:s8+$0xFFFFFFE0] =	vst v7;
	v1 =	vperm.xlane v0, v1  }
0xf0: {  	v7 =	vld [tilespmem:s22+$0xFFFFFFE0];
	[tilespmem:s8+$0xFFFFFFF0] =	vst v2;
	v3 =	vperm.xlane v0, v3  }
.Ltmp6:
0xf1: {  	v2 =	vld [tilespmem:s22+$0xFFFFFFF0];
	[tilespmem:s8+$0x0] =	vst v1;
	v4 =	vperm.xlane v0, v4;
	(pc) =	sbr.rel @p0 .LBB2_15-.Ltmp6, $4  }
0xf2: {  	v1 =	vld [tilespmem:s22+$0x0];
	v5 =	vperm.xlane v0, v5;
	[tilespmem:s8+$0x10] =	vst v3  }
0xf3: {  	v3 =	vld [tilespmem:s22+$0x10];
	v8 =	vperm.xlane v0, v8;
	[tilespmem:s8+$0x20] =	vst v4  }
0xf4: {  	v6 =	vperm.xlane v0, v6;
	v4 =	vld [tilespmem:s22+$0x20];
	[tilespmem:s8+$0xFFFFFFC0] =	vst v5;
	s8 =	sadd.s32 $0x400, s8  }
0xf5: {  	v5 =	vld [tilespmem:s22+$0xFFFFFFC0];
	v7 =	vperm.xlane v0, v7;
	[tilespmem:s8+$0x30] =	vst v8;
	s22 =	sadd.s32 $0x400, s22  }
0xf6: {  	[tilespmem:s8+$0xFFFFFFD0] =	vst v6;
	v2 =	vperm.xlane v0, v2  }
0xf7: {  	[tilespmem:s8+$0xFFFFFFE0] =	vst v7;
	v1 =	vperm.xlane v0, v1  }
0xf8: {  	[tilespmem:s8+$0xFFFFFFF0] =	vst v2;
	v2 =	vperm.xlane v0, v3  }
0xf9: {  	s13 =	sshll.u32 s7, $0xE;
	[tilespmem:s8+$0x0] =	vst v1;
	v1 =	vperm.xlane v0, v4  }
0xfa: {  	s22 =	sadd.s32 s14, s13;
	v3 =	vperm.xlane v0, v5;
	[tilespmem:s8+$0x10] =	vst v2  }
0xfb: {  	s16 =	sadd.s32 $0xB080, s16;
	s22 =	sshrl.u32 s22, $0x3;
	[tilespmem:s8+$0x20] =	vst v1  }
0xfc: {  	[tilespmem:s8+$0xFFFFFFC0] =	vst v3;
	s8 =	sadd.s32 s1, s22;
	s22 =	sadd.s32 s21, s16  }
0xfd: {  	[hbm4b:s8+s2] =	stream.linear.scatter [tilespmem:s22], [sflag:$0x3], $0x80, $0x38;
	[tilespmem:$0x15080] =	vst v63  }
0xfe: {  	s23 =	sadd.s32 $0x400, s22;
	s24 =	sadd.s32 $0x10, s8  }
0xff: {  	[hbm4b:s24+s2] =	stream.linear.scatter [tilespmem:s23], [sflag:$0x3], $0x80, $0x38;
	[tilespmem:$0x15080] =	vst v63  }
0x100: {  	s28 =	sadd.s32 $0x20, s8;
	s24 =	sadd.s32 $0x800, s22  }
0x101: {  	[hbm4b:s28+s2] =	stream.linear.scatter [tilespmem:s24], [sflag:$0x3], $0x80, $0x38;
	[tilespmem:$0x15080] =	vst v63  }
0x102: {  	s8 =	sadd.s32 $0x30, s8;
	s22 =	sadd.s32 $0xC00, s22  }
0x103: {  	[hbm4b:s8+s2] =	stream.linear.scatter [tilespmem:s22], [sflag:$0x3], $0x80, $0x38;
	[tilespmem:$0x15080] =	vst v63  }
0x104: {  	v3 =	vld [tilespmem:s10+$0x0]  }
0x105: {  	v5 =	vld [tilespmem:s10+$0xFFFFFFA0]  }
0x106: {  	v7 =	vld [tilespmem:s10+$0xFFFFFFB0]  }
0x107: {  	v4 =	vld [tilespmem:s10+$0xFFFFFFC0]  }
0x108: {  	v2 =	vld [tilespmem:s10+$0xFFFFFFD0]  }
0x109: {  	v1 =	vld [tilespmem:s10+$0xFFFFFFE0];
	v8 =	vperm.xlane v0, v3  }
0x10a: {  	v3 =	vld [tilespmem:s10+$0xFFFFFFF0];
	v6 =	vperm.xlane v0, v5  }
0x10b: {  	s8 =	sor.u32 $0x80, s21;
	s21 =	simm.s32 $0x0;
	v5 =	vld [tilespmem:s10+$0xFFFFFF90];
	v7 =	vperm.xlane v0, v7;
	s10 =	sadd.s32 $0x400, s10;
	[tilespmem:s9+$0x0] =	vst v8  }
.LBB2_17:
0x10c: {  	v8 =	vld [tilespmem:s10+$0x0];
	s21 =	sadd.s32 $0x80, s21;
	[tilespmem:s9+$0xFFFFFFA0] =	vst v6;
	v4 =	vperm.xlane v0, v4  }
0x10d: {  	v6 =	vld [tilespmem:s10+$0xFFFFFFA0];
	p0 =	slt.u32 s21, $0x180;
	[tilespmem:s9+$0xFFFFFFB0] =	vst v7;
	v2 =	vperm.xlane v0, v2  }
0x10e: {  	v7 =	vld [tilespmem:s10+$0xFFFFFFB0];
	[tilespmem:s9+$0xFFFFFFC0] =	vst v4;
	v1 =	vperm.xlane v0, v1  }
.Ltmp7:
0x10f: {  	v4 =	vld [tilespmem:s10+$0xFFFFFFC0];
	[tilespmem:s9+$0xFFFFFFD0] =	vst v2;
	v3 =	vperm.xlane v0, v3;
	(pc) =	sbr.rel @p0 .LBB2_17-.Ltmp7, $4  }
0x110: {  	v2 =	vld [tilespmem:s10+$0xFFFFFFD0];
	v5 =	vperm.xlane v0, v5;
	[tilespmem:s9+$0xFFFFFFE0] =	vst v1  }
0x111: {  	v1 =	vld [tilespmem:s10+$0xFFFFFFE0];
	v8 =	vperm.xlane v0, v8;
	[tilespmem:s9+$0xFFFFFFF0] =	vst v3  }
0x112: {  	v6 =	vperm.xlane v0, v6;
	v3 =	vld [tilespmem:s10+$0xFFFFFFF0];
	[tilespmem:s9+$0xFFFFFF90] =	vst v5;
	s9 =	sadd.s32 $0x400, s9  }
0x113: {  	v5 =	vld [tilespmem:s10+$0xFFFFFF90];
	v7 =	vperm.xlane v0, v7;
	[tilespmem:s9+$0x0] =	vst v8;
	s10 =	sadd.s32 $0x400, s10  }
0x114: {  	[tilespmem:s9+$0xFFFFFFA0] =	vst v6;
	v4 =	vperm.xlane v0, v4  }
0x115: {  	[tilespmem:s9+$0xFFFFFFB0] =	vst v7;
	v2 =	vperm.xlane v0, v2  }
0x116: {  	[tilespmem:s9+$0xFFFFFFC0] =	vst v4;
	v1 =	vperm.xlane v0, v1  }
0x117: {  	[tilespmem:s9+$0xFFFFFFD0] =	vst v2;
	v2 =	vperm.xlane v0, v3  }
0x118: {  	s10 =	sadd.s32 s15, s13;
	v3 =	vperm.xlane v0, v5;
	[tilespmem:s9+$0xFFFFFFE0] =	vst v1  }
0x119: {  	s10 =	sshrl.u32 s10, $0x3;
	[tilespmem:s9+$0xFFFFFFF0] =	vst v2  }
0x11a: {  	s8 =	sadd.s32 s8, s16;
	s28 =	sadd.s32 s1, s10;
	[tilespmem:s9+$0xFFFFFF90] =	vst v3  }
0x11b: {  	[hbm4b:s28+s2] =	stream.linear.scatter [tilespmem:s8], [sflag:$0x3], $0x80, $0x38;
	[tilespmem:$0x15080] =	vst v63  }
0x11c: {  	p0 =	slt.u32 s7, $0x26;
	s21 =	sadd.s32 $0x400, s8;
	s22 =	sadd.s32 $0x10, s28  }
0x11d: {  	[hbm4b:s22+s2] =	stream.linear.scatter [tilespmem:s21], [sflag:$0x3], $0x80, $0x38;
	[tilespmem:$0x15080] =	vst v63  }
.Ltmp8:
0x11e: {  	s5 =	sadd.s32 $0x400, s5;
	s23 =	sadd.s32 $0x800, s8;
	(pc) =	sbr.rel @p0 .LBB2_14-.Ltmp8, $4  }
0x11f: {  	s24 =	sadd.s32 $0x20, s28;
	s9 =	sadd.s32 $0x30, s28;
	s28 =	sadd.s32 $0x2, s7  }
0x120: {  	[hbm4b:s24+s2] =	stream.linear.scatter [tilespmem:s23], [sflag:$0x3], $0x80, $0x38;
	[tilespmem:$0x15080] =	vst v63  }
0x121: {  	s4 =	sadd.s32 $0x1, s4;
	s8 =	sadd.s32 $0xC00, s8;
	s7 =	smov.u32 s28  }
0x122: {  	[hbm4b:s9+s2] =	stream.linear.scatter [tilespmem:s8], [sflag:$0x3], $0x80, $0x38;
	[tilespmem:$0x15080] =	vst v63  }
0x123: {  	s4 =	rddreg [dreg:$0xb];
	s5 =	simm.s32 $0x1080;
	s28 =	simm.s32 $0x2  }
0x124: {  	[tilespmem:s5], [sflag:$0x1] =	stream.strided.gather [hbm4b:s4+s26], $0x5000, s30, s26, $0x38;
	[tilespmem:$0x15080] =	vst v63  }
0x125: {  	_ =	swait.ge [sflag:s28], $0x5000  }
0x126: {  	[sflag:s28] =	ssyncset.done $0x0  }
0x127: {  	[sflag:s28] =	ssyncadd.s32 $0xFFFFB000  }
0x128: {  	_ =	swait.ge [sflag:s0], $0x5000  }
0x129: {  	s5 =	simm.s32 $0x0;
	[sflag:s0] =	ssyncset.done $0x0  }
0x12a: {  	s26 =	simm.s32 $0x0;
	s4 =	simm.s32 $0x0;
	[sflag:s0] =	ssyncadd.s32 $0xFFFFB000  }
.LBB2_20:
0x12b: {  	s7 =	sshll.u32 s4, $0xA  }
0x12c: {  	s8 =	sand.u32 $0x3FFFF000, s26;
	s7 =	sand.u32 $0xC00, s7  }
0x12d: {  	s28 =	sadd.s32 $0x1080, s8;
	s10 =	sshrl.u32 s7, $0x2  }
0x12e: {  	s13 =	sadd.s32 s10, s28  }
0x12f: {  	v1 =	vld [tilespmem:s13+$0x5070]  }
0x130: {  	v2 =	vld [tilespmem:s13+$0x5000]  }
0x131: {  	v3 =	vld [tilespmem:s13+$0x5010]  }
0x132: {  	v7 =	vld [tilespmem:s13+$0x5050]  }
0x133: {  	v4 =	vld [tilespmem:s13+$0x5020]  }
0x134: {  	s7 =	sadd.s32 $0xB080, s8;
	v5 =	vld [tilespmem:s13+$0x5030];
	v1 =	vperm.xlane v0, v1  }
0x135: {  	s9 =	sadd.s32 $0x400, s28;
	s21 =	sadd.s32 s10, s7;
	v6 =	vld [tilespmem:s13+$0x5040];
	v2 =	vperm.xlane v0, v2  }
0x136: {  	s16 =	sadd.s32 s10, s9;
	v8 =	vld [tilespmem:s13+$0x5060];
	v3 =	vperm.xlane v0, v3;
	[tilespmem:s21+$0x5070] =	vst v1  }
0x137: {  	v9 =	vld [tilespmem:s16+$0x5070];
	v10 =	vperm.xlane v0, v7;
	[tilespmem:s21+$0x5000] =	vst v2  }
0x138: {  	v1 =	vperm.xlane v0, v4;
	v4 =	vld [tilespmem:s16+$0x5000];
	[tilespmem:s21+$0x5010] =	vst v3  }
0x139: {  	v3 =	vperm.xlane v0, v5;
	v2 =	vld [tilespmem:s16+$0x5010];
	[tilespmem:s21+$0x5050] =	vst v10  }
0x13a: {  	s23 =	sshll.u32 s5, $0x9;
	v5 =	vperm.xlane v0, v6;
	[tilespmem:s21+$0x5020] =	vst v1;
	v1 =	vld [tilespmem:s16+$0x5020]  }
0x13b: {  	s24 =	sshll.u32 s5, $0x7;
	s8 =	sand.u32 $0x7000, s23;
	s22 =	sadd.s32 $0x400, s9;
	v7 =	vperm.xlane v0, v8;
	[tilespmem:s21+$0x5030] =	vst v3;
	v3 =	vld [tilespmem:s16+$0x5030]  }
0x13c: {  	s23 =	sadd.s32 $0x400, s7;
	s13 =	sand.u32 $0x300, s24;
	s24 =	simm.s32 $0x80;
	v6 =	vperm.xlane v0, v9;
	[tilespmem:s21+$0x5040] =	vst v5;
	v5 =	vld [tilespmem:s16+$0x5040]  }
.LBB2_21:
0x13d: {  	s24 =	sadd.s32 $0x80, s24;
	v4 =	vperm.xlane v0, v4;
	v8 =	vld [tilespmem:s16+$0x5050];
	[tilespmem:s21+$0x5060] =	vst v7;
	s21 =	sadd.s32 s10, s23  }
0x13e: {  	p0 =	slt.u32 s24, $0x180;
	v2 =	vperm.xlane v0, v2;
	v7 =	vld [tilespmem:s16+$0x5060];
	s16 =	sadd.s32 s10, s22;
	[tilespmem:s21+$0x5070] =	vst v6  }
0x13f: {  	v6 =	vld [tilespmem:s16+$0x5070];
	[tilespmem:s21+$0x5000] =	vst v4;
	v1 =	vperm.xlane v0, v1  }
.Ltmp9:
0x140: {  	v4 =	vld [tilespmem:s16+$0x5000];
	[tilespmem:s21+$0x5010] =	vst v2;
	v3 =	vperm.xlane v0, v3;
	(pc) =	sbr.rel @p0 .LBB2_21-.Ltmp9, $4  }
0x141: {  	v2 =	vld [tilespmem:s16+$0x5010];
	[tilespmem:s21+$0x5020] =	vst v1;
	v5 =	vperm.xlane v0, v5  }
0x142: {  	v1 =	vld [tilespmem:s16+$0x5020];
	[tilespmem:s21+$0x5030] =	vst v3;
	v8 =	vperm.xlane v0, v8  }
0x143: {  	v3 =	vld [tilespmem:s16+$0x5030];
	[tilespmem:s21+$0x5040] =	vst v5;
	v7 =	vperm.xlane v0, v7  }
0x144: {  	s23 =	sadd.s32 $0x400, s23;
	s22 =	sadd.s32 $0x400, s22;
	v5 =	vld [tilespmem:s16+$0x5040];
	v6 =	vperm.xlane v0, v6;
	[tilespmem:s21+$0x5050] =	vst v8  }
0x145: {  	v4 =	vperm.xlane v0, v4;
	s22 =	sadd.s32 s10, s23;
	v8 =	vld [tilespmem:s16+$0x5050];
	[tilespmem:s21+$0x5060] =	vst v7  }
0x146: {  	v7 =	vld [tilespmem:s16+$0x5060];
	v2 =	vperm.xlane v0, v2;
	[tilespmem:s22+$0x5070] =	vst v6  }
0x147: {  	[tilespmem:s22+$0x5000] =	vst v4;
	v1 =	vperm.xlane v0, v1  }
0x148: {  	[tilespmem:s22+$0x5010] =	vst v2;
	v2 =	vperm.xlane v0, v3  }
0x149: {  	[tilespmem:s22+$0x5020] =	vst v1;
	v1 =	vperm.xlane v0, v5  }
0x14a: {  	s16 =	sshll.u32 s5, $0xE;
	[tilespmem:s22+$0x5030] =	vst v2;
	v2 =	vperm.xlane v0, v8  }
0x14b: {  	s23 =	sadd.s32 s17, s16;
	[tilespmem:s22+$0x5040] =	vst v1;
	v1 =	vperm.xlane v0, v7  }
0x14c: {  	s21 =	sadd.s32 $0x10080, s8;
	s24 =	sshrl.u32 s23, $0x3;
	[tilespmem:s22+$0x5050] =	vst v2  }
0x14d: {  	s8 =	sadd.s32 s1, s24;
	[tilespmem:s22+$0x5060] =	vst v1;
	s22 =	sadd.s32 s13, s21  }
0x14e: {  	[hbm4b:s8+s2] =	stream.linear.scatter [tilespmem:s22], [sflag:$0x4], $0x80, $0x38;
	[tilespmem:$0x15080] =	vst v63  }
0x14f: {  	s24 =	sadd.s32 $0x10, s8;
	s23 =	sadd.s32 $0x400, s22  }
0x150: {  	v1 =	vmov s10;
	[hbm4b:s24+s2] =	stream.linear.scatter [tilespmem:s23], [sflag:$0x4], $0x80, $0x38;
	[tilespmem:$0x15080] =	vst v63  }
0x151: {  	s23 =	sadd.s32 $0x800, s22;
	s24 =	sadd.s32 $0x20, s8  }
0x152: {  	[hbm4b:s24+s2] =	stream.linear.scatter [tilespmem:s23], [sflag:$0x4], $0x80, $0x38;
	[tilespmem:$0x15080] =	vst v63  }
0x153: {  	s8 =	sadd.s32 $0x30, s8;
	s24 =	sadd.s32 $0xC00, s22  }
0x154: {  	[hbm4b:s8+s2] =	stream.linear.scatter [tilespmem:s24], [sflag:$0x4], $0x80, $0x38;
	[tilespmem:$0x15080] =	vst v63  }
0x155: {  	v6 =	vld.idx.msk [tilespmem:v1+s28+$0x50F0 ss:$0x1], $0xffff  }
0x156: {  	v9 =	vld.idx.msk [tilespmem:v1+s28+$0x5090 ss:$0x1], $0xffff  }
0x157: {  	v7 =	vld.idx.msk [tilespmem:v1+s28+$0x50A0 ss:$0x1], $0xffff  }
0x158: {  	v5 =	vld.idx.msk [tilespmem:v1+s28+$0x50B0 ss:$0x1], $0xffff  }
0x159: {  	v4 =	vld.idx.msk [tilespmem:v1+s28+$0x50C0 ss:$0x1], $0xffff  }
0x15a: {  	v3 =	vld.idx.msk [tilespmem:v1+s28+$0x50D0 ss:$0x1], $0xffff  }
0x15b: {  	v2 =	vld.idx.msk [tilespmem:v1+s28+$0x50E0 ss:$0x1], $0xffff;
	v8 =	vperm.xlane v0, v6  }
0x15c: {  	s10 =	simm.s32 $0x0;
	s8 =	sor.u32 $0x80, s13;
	v6 =	vld.idx.msk [tilespmem:v1+s28+$0x5080 ss:$0x1], $0xffff;
	v9 =	vperm.xlane v0, v9  }
.LBB2_23:
0x15d: {  	v10 =	vld.idx.msk [tilespmem:v1+s9+$0x50F0 ss:$0x1], $0xffff;
	s10 =	sadd.s32 $0x80, s10;
	v11 =	vperm.xlane v0, v7;
	[tilespmem:v1+s7+$0x50F0 ss:$0x1] =	vst.idx.msk $0xffff, v8  }
0x15e: {  	v8 =	vperm.xlane v0, v5;
	v12 =	vld.idx.msk [tilespmem:v1+s9+$0x5090 ss:$0x1], $0xffff;
	p0 =	slt.u32 s10, $0x180;
	[tilespmem:v1+s7+$0x5090 ss:$0x1] =	vst.idx.msk $0xffff, v9  }
0x15f: {  	v9 =	vperm.xlane v0, v4;
	v7 =	vld.idx.msk [tilespmem:v1+s9+$0x50A0 ss:$0x1], $0xffff;
	[tilespmem:v1+s7+$0x50A0 ss:$0x1] =	vst.idx.msk $0xffff, v11  }
.Ltmp10:
0x160: {  	v5 =	vld.idx.msk [tilespmem:v1+s9+$0x50B0 ss:$0x1], $0xffff;
	[tilespmem:v1+s7+$0x50B0 ss:$0x1] =	vst.idx.msk $0xffff, v8;
	v8 =	vperm.xlane v0, v3;
	(pc) =	sbr.rel @p0 .LBB2_23-.Ltmp10, $4  }
0x161: {  	v4 =	vld.idx.msk [tilespmem:v1+s9+$0x50C0 ss:$0x1], $0xffff;
	[tilespmem:v1+s7+$0x50C0 ss:$0x1] =	vst.idx.msk $0xffff, v9;
	v9 =	vperm.xlane v0, v2  }
0x162: {  	v11 =	vperm.xlane v0, v6;
	v3 =	vld.idx.msk [tilespmem:v1+s9+$0x50D0 ss:$0x1], $0xffff;
	[tilespmem:v1+s7+$0x50D0 ss:$0x1] =	vst.idx.msk $0xffff, v8  }
0x163: {  	v8 =	vperm.xlane v0, v10;
	v2 =	vld.idx.msk [tilespmem:v1+s9+$0x50E0 ss:$0x1], $0xffff;
	[tilespmem:v1+s7+$0x50E0 ss:$0x1] =	vst.idx.msk $0xffff, v9  }
0x164: {  	v9 =	vperm.xlane v0, v12;
	v6 =	vld.idx.msk [tilespmem:v1+s9+$0x5080 ss:$0x1], $0xffff;
	s9 =	sadd.s32 $0x400, s9;
	[tilespmem:v1+s7+$0x5080 ss:$0x1] =	vst.idx.msk $0xffff, v11;
	s7 =	sadd.s32 $0x400, s7  }
0x165: {  	_ =	sdelay $0x3  }
0x166: {  	v7 =	vperm.xlane v0, v7;
	[tilespmem:v1+s7+$0x50F0 ss:$0x1] =	vst.idx.msk $0xffff, v8  }
0x167: {  	v5 =	vperm.xlane v0, v5;
	[tilespmem:v1+s7+$0x5090 ss:$0x1] =	vst.idx.msk $0xffff, v9  }
0x168: {  	v4 =	vperm.xlane v0, v4;
	[tilespmem:v1+s7+$0x50A0 ss:$0x1] =	vst.idx.msk $0xffff, v7  }
0x169: {  	[tilespmem:v1+s7+$0x50B0 ss:$0x1] =	vst.idx.msk $0xffff, v5;
	v3 =	vperm.xlane v0, v3  }
0x16a: {  	[tilespmem:v1+s7+$0x50C0 ss:$0x1] =	vst.idx.msk $0xffff, v4;
	v2 =	vperm.xlane v0, v2  }
0x16b: {  	s9 =	sadd.s32 s18, s16;
	v63 =	vperm.xlane v0, v6;
	[tilespmem:v1+s7+$0x50D0 ss:$0x1] =	vst.idx.msk $0xffff, v3  }
0x16c: {  	s9 =	sshrl.u32 s9, $0x3;
	[tilespmem:v1+s7+$0x50E0 ss:$0x1] =	vst.idx.msk $0xffff, v2  }
0x16d: {  	s8 =	sadd.s32 s8, s21;
	s16 =	sadd.s32 s1, s9;
	[tilespmem:v1+s7+$0x5080 ss:$0x1] =	vst.idx.msk $0xffff, v63  }
0x16e: {  	[hbm4b:s16+s2] =	stream.linear.scatter [tilespmem:s8], [sflag:$0x4], $0x80, $0x38;
	[tilespmem:$0x15080] =	vst v63  }
0x16f: {  	p0 =	slt.u32 s5, $0x26;
	s22 =	sadd.s32 $0x400, s8;
	s10 =	sadd.s32 $0x10, s16  }
0x170: {  	[hbm4b:s10+s2] =	stream.linear.scatter [tilespmem:s22], [sflag:$0x4], $0x80, $0x38;
	[tilespmem:$0x15080] =	vst v63  }
.Ltmp11:
0x171: {  	s28 =	sadd.s32 $0x2, s5;
	s4 =	sadd.s32 $0x1, s4;
	(pc) =	sbr.rel @p0 .LBB2_20-.Ltmp11, $4  }
0x172: {  	s26 =	sadd.s32 $0x400, s26;
	s23 =	sadd.s32 $0x800, s8;
	s24 =	sadd.s32 $0x20, s16  }
0x173: {  	[hbm4b:s24+s2] =	stream.linear.scatter [tilespmem:s23], [sflag:$0x4], $0x80, $0x38;
	[tilespmem:$0x15080] =	vst v63  }
0x174: {  	s5 =	smov.u32 s28;
	s7 =	sadd.s32 $0x30, s16;
	s8 =	sadd.s32 $0xC00, s8  }
0x175: {  	[hbm4b:s7+s2] =	stream.linear.scatter [tilespmem:s8], [sflag:$0x4], $0x80, $0x38;
	[tilespmem:$0x15080] =	vst v63  }
0x176: {  	_ =	swait.ge [sflag:s29], $0x5000  }
0x177: {  	[sflag:s29] =	ssyncset.done $0x0  }
0x178: {  	[sflag:s29] =	ssyncadd.s32 $0xFFFFB000  }
0x179: {  	_ =	swait.ge [sflag:s31], $0x5000  }
0x17a: {  	s7 =	simm.s32 $0x0;
	s4 =	simm.s32 $0x0;
	[sflag:s31] =	ssyncset.done $0x0  }
0x17b: {  	s5 =	simm.s32 $0x0;
	s28 =	simm.s32 $0x1000;
	[sflag:s31] =	ssyncadd.s32 $0xFFFFB000  }
.LBB2_26:
0x17c: {  	s8 =	sshll.u32 s5, $0x2;
	s9 =	sand.u32 $0x3, s4  }
0x17d: {  	s8 =	sand.u32 $0xFFFFC000, s8;
	s9 =	sshll.u32 s9, $0xA  }
0x17e: {  	s8 =	sor.u32 s9, s8  }
0x17f: {  	s8 =	sshrl.u32 s8, $0x2  }
0x180: {  	s22 =	sadd.s32 $0x10C0, s8  }
0x181: {  	v4 =	vld [tilespmem:s22+$0x30]  }
0x182: {  	v5 =	vld [tilespmem:s22+$0xFFFFFFD0]  }
0x183: {  	v7 =	vld [tilespmem:s22+$0xFFFFFFE0]  }
0x184: {  	v2 =	vld [tilespmem:s22+$0xFFFFFFF0]  }
0x185: {  	s13 =	sshll.u32 s7, $0x9;
	v1 =	vld [tilespmem:s22+$0x0]  }
0x186: {  	s26 =	sshll.u32 s7, $0x7;
	s16 =	sand.u32 $0x7000, s13;
	v3 =	vld [tilespmem:s22+$0x10];
	v8 =	vperm.xlane v0, v4  }
0x187: {  	s9 =	sadd.s32 $0xB170, s8;
	s10 =	sadd.s32 $0x1170, s8;
	s8 =	sadd.s32 $0xB0C0, s8;
	v4 =	vld [tilespmem:s22+$0x20];
	v6 =	vperm.xlane v0, v5  }
0x188: {  	s21 =	sand.u32 $0x300, s26;
	s13 =	simm.s32 $0x0;
	v5 =	vld [tilespmem:s22+$0xFFFFFFC0];
	v7 =	vperm.xlane v0, v7;
	s22 =	sadd.s32 $0x400, s22;
	[tilespmem:s8+$0x30] =	vst v8  }
.LBB2_27:
0x189: {  	v8 =	vld [tilespmem:s22+$0x30];
	s13 =	sadd.s32 $0x80, s13;
	[tilespmem:s8+$0xFFFFFFD0] =	vst v6;
	v2 =	vperm.xlane v0, v2  }
0x18a: {  	v6 =	vld [tilespmem:s22+$0xFFFFFFD0];
	p0 =	slt.u32 s13, $0x180;
	[tilespmem:s8+$0xFFFFFFE0] =	vst v7;
	v1 =	vperm.xlane v0, v1  }
0x18b: {  	v7 =	vld [tilespmem:s22+$0xFFFFFFE0];
	[tilespmem:s8+$0xFFFFFFF0] =	vst v2;
	v3 =	vperm.xlane v0, v3  }
.Ltmp12:
0x18c: {  	v2 =	vld [tilespmem:s22+$0xFFFFFFF0];
	[tilespmem:s8+$0x0] =	vst v1;
	v4 =	vperm.xlane v0, v4;
	(pc) =	sbr.rel @p0 .LBB2_27-.Ltmp12, $4  }
0x18d: {  	v1 =	vld [tilespmem:s22+$0x0];
	v5 =	vperm.xlane v0, v5;
	[tilespmem:s8+$0x10] =	vst v3  }
0x18e: {  	v3 =	vld [tilespmem:s22+$0x10];
	v8 =	vperm.xlane v0, v8;
	[tilespmem:s8+$0x20] =	vst v4  }
0x18f: {  	v6 =	vperm.xlane v0, v6;
	v4 =	vld [tilespmem:s22+$0x20];
	[tilespmem:s8+$0xFFFFFFC0] =	vst v5;
	s8 =	sadd.s32 $0x400, s8  }
0x190: {  	v5 =	vld [tilespmem:s22+$0xFFFFFFC0];
	v7 =	vperm.xlane v0, v7;
	[tilespmem:s8+$0x30] =	vst v8;
	s22 =	sadd.s32 $0x400, s22  }
0x191: {  	[tilespmem:s8+$0xFFFFFFD0] =	vst v6;
	v2 =	vperm.xlane v0, v2  }
0x192: {  	[tilespmem:s8+$0xFFFFFFE0] =	vst v7;
	v1 =	vperm.xlane v0, v1  }
0x193: {  	[tilespmem:s8+$0xFFFFFFF0] =	vst v2;
	v2 =	vperm.xlane v0, v3  }
0x194: {  	s13 =	sshll.u32 s7, $0xE;
	[tilespmem:s8+$0x0] =	vst v1;
	v1 =	vperm.xlane v0, v4  }
0x195: {  	s22 =	sadd.s32 s19, s13;
	v3 =	vperm.xlane v0, v5;
	[tilespmem:s8+$0x10] =	vst v2  }
0x196: {  	s16 =	sadd.s32 $0xB080, s16;
	s22 =	sshrl.u32 s22, $0x3;
	[tilespmem:s8+$0x20] =	vst v1  }
0x197: {  	[tilespmem:s8+$0xFFFFFFC0] =	vst v3;
	s8 =	sadd.s32 s1, s22;
	s22 =	sadd.s32 s21, s16  }
0x198: {  	[hbm4b:s8+s2] =	stream.linear.scatter [tilespmem:s22], [sflag:$0x3], $0x80, $0x38;
	[tilespmem:$0x15080] =	vst v63  }
0x199: {  	s23 =	sadd.s32 $0x400, s22;
	s24 =	sadd.s32 $0x10, s8  }
0x19a: {  	[hbm4b:s24+s2] =	stream.linear.scatter [tilespmem:s23], [sflag:$0x3], $0x80, $0x38;
	[tilespmem:$0x15080] =	vst v63  }
0x19b: {  	s26 =	sadd.s32 $0x20, s8;
	s24 =	sadd.s32 $0x800, s22  }
0x19c: {  	[hbm4b:s26+s2] =	stream.linear.scatter [tilespmem:s24], [sflag:$0x3], $0x80, $0x38;
	[tilespmem:$0x15080] =	vst v63  }
0x19d: {  	s8 =	sadd.s32 $0x30, s8;
	s22 =	sadd.s32 $0xC00, s22  }
0x19e: {  	[hbm4b:s8+s2] =	stream.linear.scatter [tilespmem:s22], [sflag:$0x3], $0x80, $0x38;
	[tilespmem:$0x15080] =	vst v63  }
0x19f: {  	v3 =	vld [tilespmem:s10+$0x0]  }
0x1a0: {  	v5 =	vld [tilespmem:s10+$0xFFFFFFA0]  }
0x1a1: {  	v7 =	vld [tilespmem:s10+$0xFFFFFFB0]  }
0x1a2: {  	v4 =	vld [tilespmem:s10+$0xFFFFFFC0]  }
0x1a3: {  	v2 =	vld [tilespmem:s10+$0xFFFFFFD0]  }
0x1a4: {  	v1 =	vld [tilespmem:s10+$0xFFFFFFE0];
	v8 =	vperm.xlane v0, v3  }
0x1a5: {  	v3 =	vld [tilespmem:s10+$0xFFFFFFF0];
	v6 =	vperm.xlane v0, v5  }
0x1a6: {  	s8 =	sor.u32 $0x80, s21;
	s21 =	simm.s32 $0x0;
	v5 =	vld [tilespmem:s10+$0xFFFFFF90];
	v7 =	vperm.xlane v0, v7;
	s10 =	sadd.s32 $0x400, s10;
	[tilespmem:s9+$0x0] =	vst v8  }
.LBB2_29:
0x1a7: {  	v8 =	vld [tilespmem:s10+$0x0];
	s21 =	sadd.s32 $0x80, s21;
	[tilespmem:s9+$0xFFFFFFA0] =	vst v6;
	v4 =	vperm.xlane v0, v4  }
0x1a8: {  	v6 =	vld [tilespmem:s10+$0xFFFFFFA0];
	p0 =	slt.u32 s21, $0x180;
	[tilespmem:s9+$0xFFFFFFB0] =	vst v7;
	v2 =	vperm.xlane v0, v2  }
0x1a9: {  	v7 =	vld [tilespmem:s10+$0xFFFFFFB0];
	[tilespmem:s9+$0xFFFFFFC0] =	vst v4;
	v1 =	vperm.xlane v0, v1  }
.Ltmp13:
0x1aa: {  	v4 =	vld [tilespmem:s10+$0xFFFFFFC0];
	[tilespmem:s9+$0xFFFFFFD0] =	vst v2;
	v3 =	vperm.xlane v0, v3;
	(pc) =	sbr.rel @p0 .LBB2_29-.Ltmp13, $4  }
0x1ab: {  	v2 =	vld [tilespmem:s10+$0xFFFFFFD0];
	v5 =	vperm.xlane v0, v5;
	[tilespmem:s9+$0xFFFFFFE0] =	vst v1  }
0x1ac: {  	v1 =	vld [tilespmem:s10+$0xFFFFFFE0];
	v8 =	vperm.xlane v0, v8;
	[tilespmem:s9+$0xFFFFFFF0] =	vst v3  }
0x1ad: {  	v6 =	vperm.xlane v0, v6;
	v3 =	vld [tilespmem:s10+$0xFFFFFFF0];
	[tilespmem:s9+$0xFFFFFF90] =	vst v5;
	s9 =	sadd.s32 $0x400, s9  }
0x1ae: {  	v5 =	vld [tilespmem:s10+$0xFFFFFF90];
	v7 =	vperm.xlane v0, v7;
	[tilespmem:s9+$0x0] =	vst v8;
	s10 =	sadd.s32 $0x400, s10  }
0x1af: {  	[tilespmem:s9+$0xFFFFFFA0] =	vst v6;
	v4 =	vperm.xlane v0, v4  }
0x1b0: {  	[tilespmem:s9+$0xFFFFFFB0] =	vst v7;
	v2 =	vperm.xlane v0, v2  }
0x1b1: {  	[tilespmem:s9+$0xFFFFFFC0] =	vst v4;
	v1 =	vperm.xlane v0, v1  }
0x1b2: {  	[tilespmem:s9+$0xFFFFFFD0] =	vst v2;
	v2 =	vperm.xlane v0, v3  }
0x1b3: {  	s10 =	sadd.s32 s20, s13;
	v3 =	vperm.xlane v0, v5;
	[tilespmem:s9+$0xFFFFFFE0] =	vst v1  }
0x1b4: {  	s10 =	sshrl.u32 s10, $0x3;
	[tilespmem:s9+$0xFFFFFFF0] =	vst v2  }
0x1b5: {  	s8 =	sadd.s32 s8, s16;
	s26 =	sadd.s32 s1, s10;
	[tilespmem:s9+$0xFFFFFF90] =	vst v3  }
0x1b6: {  	[hbm4b:s26+s2] =	stream.linear.scatter [tilespmem:s8], [sflag:$0x3], $0x80, $0x38;
	[tilespmem:$0x15080] =	vst v63  }
0x1b7: {  	p0 =	slt.u32 s7, $0x26;
	s21 =	sadd.s32 $0x400, s8;
	s22 =	sadd.s32 $0x10, s26  }
0x1b8: {  	[hbm4b:s22+s2] =	stream.linear.scatter [tilespmem:s21], [sflag:$0x3], $0x80, $0x38;
	[tilespmem:$0x15080] =	vst v63  }
.Ltmp14:
0x1b9: {  	s5 =	sadd.s32 $0x400, s5;
	s23 =	sadd.s32 $0x800, s8;
	(pc) =	sbr.rel @p0 .LBB2_26-.Ltmp14, $4  }
0x1ba: {  	s24 =	sadd.s32 $0x20, s26;
	s9 =	sadd.s32 $0x30, s26;
	s26 =	sadd.s32 $0x2, s7  }
0x1bb: {  	[hbm4b:s24+s2] =	stream.linear.scatter [tilespmem:s23], [sflag:$0x3], $0x80, $0x38;
	[tilespmem:$0x15080] =	vst v63  }
0x1bc: {  	s4 =	sadd.s32 $0x1, s4;
	s8 =	sadd.s32 $0xC00, s8;
	s7 =	smov.u32 s26  }
0x1bd: {  	[hbm4b:s9+s2] =	stream.linear.scatter [tilespmem:s8], [sflag:$0x3], $0x80, $0x38;
	[tilespmem:$0x15080] =	vst v63  }
0x1be: {  	_ =	swait.ge [sflag:s0], $0x5000  }
0x1bf: {  	[sflag:s0] =	ssyncset.done $0x0  }
0x1c0: {  	[sflag:s0] =	ssyncadd.s32 $0xFFFFB000  }
0x1c1: {  	_ =	swait.ge [sflag:s31], $0x5000  }
0x1c2: {  	s3 =	sadd.s32 $0x1, s3;
	s4 =	rddreg [dreg:$0xc]  }
0x1c3: {  	p0 =	sne.s32 s3, s4  }
.Ltmp15:
0x1c4: {  	_ = 	snop;
	(pc) =	sbr.rel @p0 .LBB2_1-.Ltmp15, $3  }
0x1c5: {  	_ =	sdelay $0x1  }
0x1c6: {  	[sflag:s31] =	ssyncset.done $0x0  }
0x1c7: {  	[sflag:s31] =	ssyncadd.s32 $0xFFFFB000  }
0x1c8: {  	_ =	sfence.sel $0x180000  }
0x1c9: {  	[bflag:$0x0] =	sbarrier.arrive $0xFFFF  }
0x1ca: {  	_ =	strace $0x90000047  }
0x1cb: {  	s0 =	stileid.u32;
	[bflag:$0x2] =	sbarrier.arrive $0xFFFF  }
0x1cc: {  	p0 =	sne.s32 s0, $0x0;
	s0 =	rddreg [dreg:$0x3]  }
0x1cd: {  	s0 =	sadd.s32 @!p0 $0x100000, s0  }
0x1ce: {  	[sflag:s0] =	ssyncadd.tile.s32 @!p0 $0x1;
	_ =	shalt  }
.Lfunc_end2:
_tile_overlayer_lowered:
.L_overlay_start_2:
0x1cf: {  	(tag) =	ssettag $0x2  }
0x1d0: {  	s0 =	rddreg [dreg:$0x0];
	s2 =	stileid.u32  }
0x1d1: {  	s1 =	rddreg [dreg:$0x1];
	p0 =	sne.s32 s2, $0x0  }
0x1d2: {  	s3 =	rddreg [dreg:$0x2];
	[bflag:$0x3] =	sbarrier.arrive $0xFFFF;
	s2 =	simm.s32 @!p0 $0x1C05  }
0x1d3: {  	[timem:s3], [sflag:s2] =	dma.local @!p0 [hbm:s0], s1  }
0x1d4: {  	s0 =	simm.s32 @!p0 $0x5  }
0x1d5: {  	_ =	swait.ge @!p0 [sflag:s0], s1  }
0x1d6: {  	s1 =	ssub.s32 @!p0 $0x0, s1;
	[sflag:s0] =	ssyncset.done @!p0 $0x0  }
0x1d7: {  	[sflag:s0] =	ssyncadd.s32 @!p0 s1  }
0x1d8: {  	[bflag:$0x3] =	sbarrier.arrive $0xFFFF  }
0x1d9: {  	_ =	shalt  }

</sc_bundles>
